<compile_context>
chip_gen: v7x
topology: tpu7x:2x2x1
jax: 0.10.2.dev20260603
libtpu: 0.0.44.dev20260713+nightly
codegen_flags: <defaults>
</compile_context>

<pallas_src>
import functools

import jax
import jax.numpy as jnp
from jax import lax
from jax.experimental import pallas as pl
from jax.experimental.pallas import tpu as pltpu
from jax.experimental.pallas import tpu_sc as plsc

B = 4096
HIDDEN = 768
MAX_POS = 77
PADDED = 80
NC, NS, L = 2, 16, 16
NW = NC * NS
SEQ_PER_W = B // NW
VPR = HIDDEN // L
GRP = 16

_mesh = plsc.VectorSubcoreMesh(core_axis_name="c", subcore_axis_name="s")


@functools.partial(
    pl.kernel,
    out_type=jax.ShapeDtypeStruct((B, PADDED, HIDDEN), jnp.float32),
    mesh=_mesh,
    scratch_types=[
        pltpu.VMEM((PADDED,), jnp.int32),
        pltpu.VMEM((PADDED, HIDDEN), jnp.float32),
        pltpu.VMEM((PADDED, HIDDEN), jnp.float32),
        pltpu.SemaphoreType.DMA,
    ],
)
def _emb_kernel(ids_hbm, tok_hbm, pos_hbm, out_hbm,
                idx_v, pos_v, buf, sem):
  wid = lax.axis_index("s") * NC + lax.axis_index("c")
  b_base = wid * SEQ_PER_W

  pltpu.sync_copy(pos_hbm, pos_v)

  def seq_body(s, carry):
    pltpu.sync_copy(ids_hbm.at[b_base + s], idx_v)
    pltpu.async_copy(tok_hbm.at[idx_v], buf, sem).wait()

    def add_row(r, carry2):
      for g in range(VPR // GRP):
        tv = [buf[r, pl.ds((g * GRP + k) * L, L)] for k in range(GRP)]
        pv = [pos_v[r, pl.ds((g * GRP + k) * L, L)] for k in range(GRP)]
        for k in range(GRP):
          buf[r, pl.ds((g * GRP + k) * L, L)] = tv[k] + pv[k]
      return carry2

    lax.fori_loop(0, PADDED, add_row, 0)
    pltpu.sync_copy(buf, out_hbm.at[b_base + s])
    return carry

  lax.fori_loop(0, SEQ_PER_W, seq_body, 0)


def kernel(input_ids, token_table, pos_table):
  ids = input_ids.astype(jnp.int32)
  ids80 = jnp.pad(ids, ((0, 0), (0, PADDED - MAX_POS)))
  pos80 = jnp.pad(pos_table, ((0, PADDED - MAX_POS), (0, 0)))
  out = _emb_kernel(ids80, token_table, pos80)
  return out[:, :MAX_POS, :]

# --- scband reference (transcript-rebuilt; emitter-appended) ---
"""Pipeline reference for scband-cliptext-embeddings-7748121002503 (READ-ONLY COPY).

The authoritative reference and input builder live on the scoring server;
editing this copy changes nothing except your own understanding.
"""

import jax, jax.numpy as jnp
import numpy as np

VOCAB = 49408
HIDDEN = 768
MAX_POS = 77
B = 4096
T = 77


def setup_inputs(seed: int = 0) -> dict:
    key = jax.random.key(seed)
    k_ids, k_tok, k_pos = jax.random.split(key, 3)
    input_ids = jax.random.randint(k_ids, (B, T), 0, VOCAB, dtype=jnp.int64 if jax.config.jax_enable_x64 else jnp.int32)
    token_table = jax.random.normal(k_tok, (VOCAB, HIDDEN), dtype=jnp.float32) * 0.02
    pos_table = jax.random.normal(k_pos, (MAX_POS, HIDDEN), dtype=jnp.float32) * 0.02
    return {"input_ids": input_ids, "token_table": token_table, "pos_table": pos_table}


def reference(input_ids, token_table, pos_table):
    Bn, Tn = input_ids.shape
    tok = jnp.take(token_table, input_ids, axis=0)            # [B, T, H]
    pos_ids = jnp.arange(Tn)                                   # [T]
    pos = jnp.take(pos_table, pos_ids, axis=0)                 # [T, H]
    pos = jnp.broadcast_to(pos[None, :, :], (Bn, Tn, pos.shape[-1]))
    return tok + pos

if __name__ == "__main__":
    import jax
    _d = setup_inputs()
    print(jax.jit(kernel)(*tuple(_d.values())))

</pallas_src>

<mosaic_0001>
#map = affine_map<(d0, d1) -> (0, 0)>
#map1 = affine_map<(d0, d1) -> (0, 0, 0)>
module attributes {stable_mosaic.version = 14 : i64} {
  func.func @_emb_kernel(%arg0: i32, %arg1: i32, %arg2: memref<4096x80xi32, #tpu.memory_space<hbm>>, %arg3: memref<49408x768xf32, #tpu.memory_space<hbm>>, %arg4: memref<80x768xf32, #tpu.memory_space<hbm>>, %arg5: memref<4096x80x768xf32, #tpu.memory_space<hbm>>, %arg6: memref<80xi32, #tpu.memory_space<vmem>>, %arg7: memref<80x768xf32, #tpu.memory_space<vmem>>, %arg8: memref<80x768xf32, #tpu.memory_space<vmem>>, %arg9: memref<!tpu.dma_semaphore, #tpu.memory_space<semaphore_mem>>) attributes {dimension_semantics = [#tpu.dimension_semantics<core_parallel>, #tpu.dimension_semantics<subcore_parallel>], iteration_bounds = array<i64: 2, 16>, scalar_prefetch = 0 : i64, scratch_operands = 4 : i64, tpu.core_type = #tpu.core_type<sc_vector_subcore>, window_params = [{transform_indices = #map}, {transform_indices = #map}, {transform_indices = #map}, {transform_indices = #map1}]} {
    %mul3A = arith.constant 2 : i32
    %mul3A_0 = arith.muli %arg1, %mul3A : i32
    %add3A = arith.addi %mul3A_0, %arg0 : i32
    %mul3A_1 = arith.constant 128 : i32
    %mul3A_2 = arith.muli %add3A, %mul3A_1 : i32
    "tpu.region"() ({
      %run_scoped3A = tpu.sem_alloc : memref<!tpu.dma_semaphore, #tpu.memory_space<semaphore_mem>>
      tpu.enqueue_dma source(%arg4 : memref<80x768xf32, #tpu.memory_space<hbm>>) target(%arg7 : memref<80x768xf32, #tpu.memory_space<vmem>>) target_semaphore(%run_scoped3A : memref<!tpu.dma_semaphore, #tpu.memory_space<semaphore_mem>>)
      tpu.wait_dma2 semaphore(%run_scoped3A : memref<!tpu.dma_semaphore, #tpu.memory_space<semaphore_mem>>) src(%arg4 : memref<80x768xf32, #tpu.memory_space<hbm>>) dst(%arg7 : memref<80x768xf32, #tpu.memory_space<vmem>>)
      tpu.yield
    }) : () -> ()
    %scan3A = arith.constant 0 : i32
    %scan3A_3 = arith.constant 0 : i32
    %scan3A_4 = arith.constant 128 : i32
    %scan3A_5 = arith.addi %scan3A_3, %scan3A_4 : i32
    %scan3A_6 = arith.constant 1 : i32
    scf.for %scan3A_8 = %scan3A_3 to %scan3A_5 step %scan3A_6  : i32 {
      %add3A_9 = arith.addi %mul3A_2, %scan3A_8 : i32
      "tpu.region"() ({
        %run_scoped3A = tpu.sem_alloc : memref<!tpu.dma_semaphore, #tpu.memory_space<semaphore_mem>>
        %dma_start3A_21 = arith.constant 0 : i32
        %dma_start3A_22 = tpu.memref_slice %arg2[%add3A_9, %dma_start3A_21] : memref<4096x80xi32, #tpu.memory_space<hbm>> -> memref<1x80xi32, #tpu.memory_space<hbm>>
        %dma_start3A_23 = tpu.memref_squeeze %dma_start3A_22 : memref<1x80xi32, #tpu.memory_space<hbm>> -> memref<80xi32, #tpu.memory_space<hbm>>
        %dma_start3A_24 = arith.constant 0 : i32
        %dma_start3A_25 = tpu.memref_slice %arg2[%add3A_9, %dma_start3A_24] : memref<4096x80xi32, #tpu.memory_space<hbm>> -> memref<1x80xi32, #tpu.memory_space<hbm>>
        %dma_start3A_26 = tpu.memref_squeeze %dma_start3A_25 : memref<1x80xi32, #tpu.memory_space<hbm>> -> memref<80xi32, #tpu.memory_space<hbm>>
        tpu.enqueue_dma source(%dma_start3A_26 : memref<80xi32, #tpu.memory_space<hbm>>) target(%arg6 : memref<80xi32, #tpu.memory_space<vmem>>) target_semaphore(%run_scoped3A : memref<!tpu.dma_semaphore, #tpu.memory_space<semaphore_mem>>)
        %dma_wait3A_27 = arith.constant 0 : i32
        %dma_wait3A_28 = tpu.memref_slice %arg2[%add3A_9, %dma_wait3A_27] : memref<4096x80xi32, #tpu.memory_space<hbm>> -> memref<1x80xi32, #tpu.memory_space<hbm>>
        %dma_wait3A_29 = tpu.memref_squeeze %dma_wait3A_28 : memref<1x80xi32, #tpu.memory_space<hbm>> -> memref<80xi32, #tpu.memory_space<hbm>>
        %dma_wait3A_30 = arith.constant 0 : i32
        %dma_wait3A_31 = tpu.memref_slice %arg2[%add3A_9, %dma_wait3A_30] : memref<4096x80xi32, #tpu.memory_space<hbm>> -> memref<1x80xi32, #tpu.memory_space<hbm>>
        %dma_wait3A_32 = tpu.memref_squeeze %dma_wait3A_31 : memref<1x80xi32, #tpu.memory_space<hbm>> -> memref<80xi32, #tpu.memory_space<hbm>>
        tpu.wait_dma2 semaphore(%run_scoped3A : memref<!tpu.dma_semaphore, #tpu.memory_space<semaphore_mem>>) src(%dma_wait3A_32 : memref<80xi32, #tpu.memory_space<hbm>>) dst(%arg6 : memref<80xi32, #tpu.memory_space<vmem>>)
        tpu.yield
      }) : () -> ()
      %dma_start3A = arith.constant 0 : i32
      %dma_start3A_10 = arith.constant 0 : i32
      %dma_start3A_11 = tpu.memref_slice %arg3[%dma_start3A, %dma_start3A_10] : memref<49408x768xf32, #tpu.memory_space<hbm>> -> memref<49408x768xf32, #tpu.memory_space<hbm>>
      tpu.enqueue_indirect_dma source(%dma_start3A_11 : memref<49408x768xf32, #tpu.memory_space<hbm>>) target(%arg8 : memref<80x768xf32, #tpu.memory_space<vmem>>) offsets(%arg6 : memref<80xi32, #tpu.memory_space<vmem>>) semaphore(%arg9 : memref<!tpu.dma_semaphore, #tpu.memory_space<semaphore_mem>>)
      %dma_wait3A = arith.constant 0 : i32
      %dma_wait3A_12 = arith.constant 0 : i32
      %dma_wait3A_13 = tpu.memref_slice %arg3[%dma_wait3A, %dma_wait3A_12] : memref<49408x768xf32, #tpu.memory_space<hbm>> -> memref<49408x768xf32, #tpu.memory_space<hbm>>
      tpu.wait_indirect_dma semaphore(%arg9 : memref<!tpu.dma_semaphore, #tpu.memory_space<semaphore_mem>>) src(%dma_wait3A_13 : memref<49408x768xf32, #tpu.memory_space<hbm>>) dst(%arg8 : memref<80x768xf32, #tpu.memory_space<vmem>>)
      %scan3A_14 = arith.constant 0 : i32
      %scan3A_15 = arith.constant 0 : i32
      %scan3A_16 = arith.constant 80 : i32
      %scan3A_17 = arith.addi %scan3A_15, %scan3A_16 : i32
      %scan3A_18 = arith.constant 1 : i32
      scf.for %scan3A_21 = %scan3A_15 to %scan3A_17 step %scan3A_18  : i32 {
        %get3A = arith.index_cast %scan3A_21 : i32 to index
        %get3A_22 = arith.constant 0 : index
        %get3A_23 = tpu.vector_load %arg8[%get3A, %get3A_22] {strides = array<i32>} : memref<80x768xf32, #tpu.memory_space<vmem>>, vector<1x16xf32>,
        %get3A_24 = vector.shape_cast %get3A_23 : vector<1x16xf32> to vector<16xf32>
        %get3A_25 = arith.index_cast %scan3A_21 : i32 to index
        %get3A_26 = arith.constant 16 : index
        %get3A_27 = tpu.vector_load %arg8[%get3A_25, %get3A_26] {strides = array<i32>} : memref<80x768xf32, #tpu.memory_space<vmem>>, vector<1x16xf32>,
        %get3A_28 = vector.shape_cast %get3A_27 : vector<1x16xf32> to vector<16xf32>
        %get3A_29 = arith.index_cast %scan3A_21 : i32 to index
        %get3A_30 = arith.constant 32 : index
        %get3A_31 = tpu.vector_load %arg8[%get3A_29, %get3A_30] {strides = array<i32>} : memref<80x768xf32, #tpu.memory_space<vmem>>, vector<1x16xf32>,
        %get3A_32 = vector.shape_cast %get3A_31 : vector<1x16xf32> to vector<16xf32>
        %get3A_33 = arith.index_cast %scan3A_21 : i32 to index
        %get3A_34 = arith.constant 48 : index
        %get3A_35 = tpu.vector_load %arg8[%get3A_33, %get3A_34] {strides = array<i32>} : memref<80x768xf32, #tpu.memory_space<vmem>>, vector<1x16xf32>,
        %get3A_36 = vector.shape_cast %get3A_35 : vector<1x16xf32> to vector<16xf32>
        %get3A_37 = arith.index_cast %scan3A_21 : i32 to index
        %get3A_38 = arith.constant 64 : index
        %get3A_39 = tpu.vector_load %arg8[%get3A_37, %get3A_38] {strides = array<i32>} : memref<80x768xf32, #tpu.memory_space<vmem>>, vector<1x16xf32>,
        %get3A_40 = vector.shape_cast %get3A_39 : vector<1x16xf32> to vector<16xf32>
        %get3A_41 = arith.index_cast %scan3A_21 : i32 to index
        %get3A_42 = arith.constant 80 : index
        %get3A_43 = tpu.vector_load %arg8[%get3A_41, %get3A_42] {strides = array<i32>} : memref<80x768xf32, #tpu.memory_space<vmem>>, vector<1x16xf32>,
        %get3A_44 = vector.shape_cast %get3A_43 : vector<1x16xf32> to vector<16xf32>
        %get3A_45 = arith.index_cast %scan3A_21 : i32 to index
        %get3A_46 = arith.constant 96 : index
        %get3A_47 = tpu.vector_load %arg8[%get3A_45, %get3A_46] {strides = array<i32>} : memref<80x768xf32, #tpu.memory_space<vmem>>, vector<1x16xf32>,
        %get3A_48 = vector.shape_cast %get3A_47 : vector<1x16xf32> to vector<16xf32>
        %get3A_49 = arith.index_cast %scan3A_21 : i32 to index
        %get3A_50 = arith.constant 112 : index
        %get3A_51 = tpu.vector_load %arg8[%get3A_49, %get3A_50] {strides = array<i32>} : memref<80x768xf32, #tpu.memory_space<vmem>>, vector<1x16xf32>,
        %get3A_52 = vector.shape_cast %get3A_51 : vector<1x16xf32> to vector<16xf32>
        %get3A_53 = arith.index_cast %scan3A_21 : i32 to index
        %get3A_54 = arith.constant 128 : index
        %get3A_55 = tpu.vector_load %arg8[%get3A_53, %get3A_54] {strides = array<i32>} : memref<80x768xf32, #tpu.memory_space<vmem>>, vector<1x16xf32>,
        %get3A_56 = vector.shape_cast %get3A_55 : vector<1x16xf32> to vector<16xf32>
        %get3A_57 = arith.index_cast %scan3A_21 : i32 to index
        %get3A_58 = arith.constant 144 : index
        %get3A_59 = tpu.vector_load %arg8[%get3A_57, %get3A_58] {strides = array<i32>} : memref<80x768xf32, #tpu.memory_space<vmem>>, vector<1x16xf32>,
        %get3A_60 = vector.shape_cast %get3A_59 : vector<1x16xf32> to vector<16xf32>
        %get3A_61 = arith.index_cast %scan3A_21 : i32 to index
        %get3A_62 = arith.constant 160 : index
        %get3A_63 = tpu.vector_load %arg8[%get3A_61, %get3A_62] {strides = array<i32>} : memref<80x768xf32, #tpu.memory_space<vmem>>, vector<1x16xf32>,
        %get3A_64 = vector.shape_cast %get3A_63 : vector<1x16xf32> to vector<16xf32>
        %get3A_65 = arith.index_cast %scan3A_21 : i32 to index
        %get3A_66 = arith.constant 176 : index
        %get3A_67 = tpu.vector_load %arg8[%get3A_65, %get3A_66] {strides = array<i32>} : memref<80x768xf32, #tpu.memory_space<vmem>>, vector<1x16xf32>,
        %get3A_68 = vector.shape_cast %get3A_67 : vector<1x16xf32> to vector<16xf32>
        %get3A_69 = arith.index_cast %scan3A_21 : i32 to index
        %get3A_70 = arith.constant 192 : index
        %get3A_71 = tpu.vector_load %arg8[%get3A_69, %get3A_70] {strides = array<i32>} : memref<80x768xf32, #tpu.memory_space<vmem>>, vector<1x16xf32>,
        %get3A_72 = vector.shape_cast %get3A_71 : vector<1x16xf32> to vector<16xf32>
        %get3A_73 = arith.index_cast %scan3A_21 : i32 to index
        %get3A_74 = arith.constant 208 : index
        %get3A_75 = tpu.vector_load %arg8[%get3A_73, %get3A_74] {strides = array<i32>} : memref<80x768xf32, #tpu.memory_space<vmem>>, vector<1x16xf32>,
        %get3A_76 = vector.shape_cast %get3A_75 : vector<1x16xf32> to vector<16xf32>
        %get3A_77 = arith.index_cast %scan3A_21 : i32 to index
        %get3A_78 = arith.constant 224 : index
        %get3A_79 = tpu.vector_load %arg8[%get3A_77, %get3A_78] {strides = array<i32>} : memref<80x768xf32, #tpu.memory_space<vmem>>, vector<1x16xf32>,
        %get3A_80 = vector.shape_cast %get3A_79 : vector<1x16xf32> to vector<16xf32>
        %get3A_81 = arith.index_cast %scan3A_21 : i32 to index
        %get3A_82 = arith.constant 240 : index
        %get3A_83 = tpu.vector_load %arg8[%get3A_81, %get3A_82] {strides = array<i32>} : memref<80x768xf32, #tpu.memory_space<vmem>>, vector<1x16xf32>,
        %get3A_84 = vector.shape_cast %get3A_83 : vector<1x16xf32> to vector<16xf32>
        %get3A_85 = arith.index_cast %scan3A_21 : i32 to index
        %get3A_86 = arith.constant 0 : index
        %get3A_87 = tpu.vector_load %arg7[%get3A_85, %get3A_86] {strides = array<i32>} : memref<80x768xf32, #tpu.memory_space<vmem>>, vector<1x16xf32>,
        %get3A_88 = vector.shape_cast %get3A_87 : vector<1x16xf32> to vector<16xf32>
        %get3A_89 = arith.index_cast %scan3A_21 : i32 to index
        %get3A_90 = arith.constant 16 : index
        %get3A_91 = tpu.vector_load %arg7[%get3A_89, %get3A_90] {strides = array<i32>} : memref<80x768xf32, #tpu.memory_space<vmem>>, vector<1x16xf32>,
        %get3A_92 = vector.shape_cast %get3A_91 : vector<1x16xf32> to vector<16xf32>
        %get3A_93 = arith.index_cast %scan3A_21 : i32 to index
        %get3A_94 = arith.constant 32 : index
        %get3A_95 = tpu.vector_load %arg7[%get3A_93, %get3A_94] {strides = array<i32>} : memref<80x768xf32, #tpu.memory_space<vmem>>, vector<1x16xf32>,
        %get3A_96 = vector.shape_cast %get3A_95 : vector<1x16xf32> to vector<16xf32>
        %get3A_97 = arith.index_cast %scan3A_21 : i32 to index
        %get3A_98 = arith.constant 48 : index
        %get3A_99 = tpu.vector_load %arg7[%get3A_97, %get3A_98] {strides = array<i32>} : memref<80x768xf32, #tpu.memory_space<vmem>>, vector<1x16xf32>,
        %get3A_100 = vector.shape_cast %get3A_99 : vector<1x16xf32> to vector<16xf32>
        %get3A_101 = arith.index_cast %scan3A_21 : i32 to index
        %get3A_102 = arith.constant 64 : index
        %get3A_103 = tpu.vector_load %arg7[%get3A_101, %get3A_102] {strides = array<i32>} : memref<80x768xf32, #tpu.memory_space<vmem>>, vector<1x16xf32>,
        %get3A_104 = vector.shape_cast %get3A_103 : vector<1x16xf32> to vector<16xf32>
        %get3A_105 = arith.index_cast %scan3A_21 : i32 to index
        %get3A_106 = arith.constant 80 : index
        %get3A_107 = tpu.vector_load %arg7[%get3A_105, %get3A_106] {strides = array<i32>} : memref<80x768xf32, #tpu.memory_space<vmem>>, vector<1x16xf32>,
        %get3A_108 = vector.shape_cast %get3A_107 : vector<1x16xf32> to vector<16xf32>
        %get3A_109 = arith.index_cast %scan3A_21 : i32 to index
        %get3A_110 = arith.constant 96 : index
        %get3A_111 = tpu.vector_load %arg7[%get3A_109, %get3A_110] {strides = array<i32>} : memref<80x768xf32, #tpu.memory_space<vmem>>, vector<1x16xf32>,
        %get3A_112 = vector.shape_cast %get3A_111 : vector<1x16xf32> to vector<16xf32>
        %get3A_113 = arith.index_cast %scan3A_21 : i32 to index
        %get3A_114 = arith.constant 112 : index
        %get3A_115 = tpu.vector_load %arg7[%get3A_113, %get3A_114] {strides = array<i32>} : memref<80x768xf32, #tpu.memory_space<vmem>>, vector<1x16xf32>,
        %get3A_116 = vector.shape_cast %get3A_115 : vector<1x16xf32> to vector<16xf32>
        %get3A_117 = arith.index_cast %scan3A_21 : i32 to index
        %get3A_118 = arith.constant 128 : index
        %get3A_119 = tpu.vector_load %arg7[%get3A_117, %get3A_118] {strides = array<i32>} : memref<80x768xf32, #tpu.memory_space<vmem>>, vector<1x16xf32>,
        %get3A_120 = vector.shape_cast %get3A_119 : vector<1x16xf32> to vector<16xf32>
        %get3A_121 = arith.index_cast %scan3A_21 : i32 to index
        %get3A_122 = arith.constant 144 : index
        %get3A_123 = tpu.vector_load %arg7[%get3A_121, %get3A_122] {strides = array<i32>} : memref<80x768xf32, #tpu.memory_space<vmem>>, vector<1x16xf32>,
        %get3A_124 = vector.shape_cast %get3A_123 : vector<1x16xf32> to vector<16xf32>
        %get3A_125 = arith.index_cast %scan3A_21 : i32 to index
        %get3A_126 = arith.constant 160 : index
        %get3A_127 = tpu.vector_load %arg7[%get3A_125, %get3A_126] {strides = array<i32>} : memref<80x768xf32, #tpu.memory_space<vmem>>, vector<1x16xf32>,
        %get3A_128 = vector.shape_cast %get3A_127 : vector<1x16xf32> to vector<16xf32>
        %get3A_129 = arith.index_cast %scan3A_21 : i32 to index
        %get3A_130 = arith.constant 176 : index
        %get3A_131 = tpu.vector_load %arg7[%get3A_129, %get3A_130] {strides = array<i32>} : memref<80x768xf32, #tpu.memory_space<vmem>>, vector<1x16xf32>,
        %get3A_132 = vector.shape_cast %get3A_131 : vector<1x16xf32> to vector<16xf32>
        %get3A_133 = arith.index_cast %scan3A_21 : i32 to index
        %get3A_134 = arith.constant 192 : index
        %get3A_135 = tpu.vector_load %arg7[%get3A_133, %get3A_134] {strides = array<i32>} : memref<80x768xf32, #tpu.memory_space<vmem>>, vector<1x16xf32>,
        %get3A_136 = vector.shape_cast %get3A_135 : vector<1x16xf32> to vector<16xf32>
        %get3A_137 = arith.index_cast %scan3A_21 : i32 to index
        %get3A_138 = arith.constant 208 : index
        %get3A_139 = tpu.vector_load %arg7[%get3A_137, %get3A_138] {strides = array<i32>} : memref<80x768xf32, #tpu.memory_space<vmem>>, vector<1x16xf32>,
        %get3A_140 = vector.shape_cast %get3A_139 : vector<1x16xf32> to vector<16xf32>
        %get3A_141 = arith.index_cast %scan3A_21 : i32 to index
        %get3A_142 = arith.constant 224 : index
        %get3A_143 = tpu.vector_load %arg7[%get3A_141, %get3A_142] {strides = array<i32>} : memref<80x768xf32, #tpu.memory_space<vmem>>, vector<1x16xf32>,
        %get3A_144 = vector.shape_cast %get3A_143 : vector<1x16xf32> to vector<16xf32>
        %get3A_145 = arith.index_cast %scan3A_21 : i32 to index
        %get3A_146 = arith.constant 240 : index
        %get3A_147 = tpu.vector_load %arg7[%get3A_145, %get3A_146] {strides = array<i32>} : memref<80x768xf32, #tpu.memory_space<vmem>>, vector<1x16xf32>,
        %get3A_148 = vector.shape_cast %get3A_147 : vector<1x16xf32> to vector<16xf32>
        %add3A_149 = arith.addf %get3A_24, %get3A_88 : vector<16xf32>
        %swap3A = arith.index_cast %scan3A_21 : i32 to index
        %swap3A_150 = arith.constant 0 : index
        %swap3A_151 = tpu.vector_load %arg8[%swap3A, %swap3A_150] {strides = array<i32>} : memref<80x768xf32, #tpu.memory_space<vmem>>, vector<1x16xf32>,
        %swap3A_152 = vector.shape_cast %swap3A_151 : vector<1x16xf32> to vector<16xf32>
        %swap3A_153 = vector.shape_cast %add3A_149 : vector<16xf32> to vector<1x16xf32>
        tpu.vector_store %arg8[%swap3A, %swap3A_150], %swap3A_153 {strides = array<i32>} : memref<80x768xf32, #tpu.memory_space<vmem>>, vector<1x16xf32>,
        %add3A_154 = arith.addf %get3A_28, %get3A_92 : vector<16xf32>
        %swap3A_155 = arith.index_cast %scan3A_21 : i32 to index
        %swap3A_156 = arith.constant 16 : index
        %swap3A_157 = tpu.vector_load %arg8[%swap3A_155, %swap3A_156] {strides = array<i32>} : memref<80x768xf32, #tpu.memory_space<vmem>>, vector<1x16xf32>,
        %swap3A_158 = vector.shape_cast %swap3A_157 : vector<1x16xf32> to vector<16xf32>
        %swap3A_159 = vector.shape_cast %add3A_154 : vector<16xf32> to vector<1x16xf32>
        tpu.vector_store %arg8[%swap3A_155, %swap3A_156], %swap3A_159 {strides = array<i32>} : memref<80x768xf32, #tpu.memory_space<vmem>>, vector<1x16xf32>,
        %add3A_160 = arith.addf %get3A_32, %get3A_96 : vector<16xf32>
        %swap3A_161 = arith.index_cast %scan3A_21 : i32 to index
        %swap3A_162 = arith.constant 32 : index
        %swap3A_163 = tpu.vector_load %arg8[%swap3A_161, %swap3A_162] {strides = array<i32>} : memref<80x768xf32, #tpu.memory_space<vmem>>, vector<1x16xf32>,
        %swap3A_164 = vector.shape_cast %swap3A_163 : vector<1x16xf32> to vector<16xf32>
        %swap3A_165 = vector.shape_cast %add3A_160 : vector<16xf32> to vector<1x16xf32>
        tpu.vector_store %arg8[%swap3A_161, %swap3A_162], %swap3A_165 {strides = array<i32>} : memref<80x768xf32, #tpu.memory_space<vmem>>, vector<1x16xf32>,
        %add3A_166 = arith.addf %get3A_36, %get3A_100 : vector<16xf32>
        %swap3A_167 = arith.index_cast %scan3A_21 : i32 to index
        %swap3A_168 = arith.constant 48 : index
        %swap3A_169 = tpu.vector_load %arg8[%swap3A_167, %swap3A_168] {strides = array<i32>} : memref<80x768xf32, #tpu.memory_space<vmem>>, vector<1x16xf32>,
        %swap3A_170 = vector.shape_cast %swap3A_169 : vector<1x16xf32> to vector<16xf32>
        %swap3A_171 = vector.shape_cast %add3A_166 : vector<16xf32> to vector<1x16xf32>
        tpu.vector_store %arg8[%swap3A_167, %swap3A_168], %swap3A_171 {strides = array<i32>} : memref<80x768xf32, #tpu.memory_space<vmem>>, vector<1x16xf32>,
        %add3A_172 = arith.addf %get3A_40, %get3A_104 : vector<16xf32>
        %swap3A_173 = arith.index_cast %scan3A_21 : i32 to index
        %swap3A_174 = arith.constant 64 : index
        %swap3A_175 = tpu.vector_load %arg8[%swap3A_173, %swap3A_174] {strides = array<i32>} : memref<80x768xf32, #tpu.memory_space<vmem>>, vector<1x16xf32>,
        %swap3A_176 = vector.shape_cast %swap3A_175 : vector<1x16xf32> to vector<16xf32>
        %swap3A_177 = vector.shape_cast %add3A_172 : vector<16xf32> to vector<1x16xf32>
        tpu.vector_store %arg8[%swap3A_173, %swap3A_174], %swap3A_177 {strides = array<i32>} : memref<80x768xf32, #tpu.memory_space<vmem>>, vector<1x16xf32>,
        %add3A_178 = arith.addf %get3A_44, %get3A_108 : vector<16xf32>
        %swap3A_179 = arith.index_cast %scan3A_21 : i32 to index
        %swap3A_180 = arith.constant 80 : index
        %swap3A_181 = tpu.vector_load %arg8[%swap3A_179, %swap3A_180] {strides = array<i32>} : memref<80x768xf32, #tpu.memory_space<vmem>>, vector<1x16xf32>,
        %swap3A_182 = vector.shape_cast %swap3A_181 : vector<1x16xf32> to vector<16xf32>
        %swap3A_183 = vector.shape_cast %add3A_178 : vector<16xf32> to vector<1x16xf32>
        tpu.vector_store %arg8[%swap3A_179, %swap3A_180], %swap3A_183 {strides = array<i32>} : memref<80x768xf32, #tpu.memory_space<vmem>>, vector<1x16xf32>,
        %add3A_184 = arith.addf %get3A_48, %get3A_112 : vector<16xf32>
        %swap3A_185 = arith.index_cast %scan3A_21 : i32 to index
        %swap3A_186 = arith.constant 96 : index
        %swap3A_187 = tpu.vector_load %arg8[%swap3A_185, %swap3A_186] {strides = array<i32>} : memref<80x768xf32, #tpu.memory_space<vmem>>, vector<1x16xf32>,
        %swap3A_188 = vector.shape_cast %swap3A_187 : vector<1x16xf32> to vector<16xf32>
        %swap3A_189 = vector.shape_cast %add3A_184 : vector<16xf32> to vector<1x16xf32>
        tpu.vector_store %arg8[%swap3A_185, %swap3A_186], %swap3A_189 {strides = array<i32>} : memref<80x768xf32, #tpu.memory_space<vmem>>, vector<1x16xf32>,
        %add3A_190 = arith.addf %get3A_52, %get3A_116 : vector<16xf32>
        %swap3A_191 = arith.index_cast %scan3A_21 : i32 to index
        %swap3A_192 = arith.constant 112 : index
        %swap3A_193 = tpu.vector_load %arg8[%swap3A_191, %swap3A_192] {strides = array<i32>} : memref<80x768xf32, #tpu.memory_space<vmem>>, vector<1x16xf32>,
        %swap3A_194 = vector.shape_cast %swap3A_193 : vector<1x16xf32> to vector<16xf32>
        %swap3A_195 = vector.shape_cast %add3A_190 : vector<16xf32> to vector<1x16xf32>
        tpu.vector_store %arg8[%swap3A_191, %swap3A_192], %swap3A_195 {strides = array<i32>} : memref<80x768xf32, #tpu.memory_space<vmem>>, vector<1x16xf32>,
        %add3A_196 = arith.addf %get3A_56, %get3A_120 : vector<16xf32>
        %swap3A_197 = arith.index_cast %scan3A_21 : i32 to index
        %swap3A_198 = arith.constant 128 : index
        %swap3A_199 = tpu.vector_load %arg8[%swap3A_197, %swap3A_198] {strides = array<i32>} : memref<80x768xf32, #tpu.memory_space<vmem>>, vector<1x16xf32>,
        %swap3A_200 = vector.shape_cast %swap3A_199 : vector<1x16xf32> to vector<16xf32>
        %swap3A_201 = vector.shape_cast %add3A_196 : vector<16xf32> to vector<1x16xf32>
        tpu.vector_store %arg8[%swap3A_197, %swap3A_198], %swap3A_201 {strides = array<i32>} : memref<80x768xf32, #tpu.memory_space<vmem>>, vector<1x16xf32>,
        %add3A_202 = arith.addf %get3A_60, %get3A_124 : vector<16xf32>
        %swap3A_203 = arith.index_cast %scan3A_21 : i32 to index
        %swap3A_204 = arith.constant 144 : index
        %swap3A_205 = tpu.vector_load %arg8[%swap3A_203, %swap3A_204] {strides = array<i32>} : memref<80x768xf32, #tpu.memory_space<vmem>>, vector<1x16xf32>,
        %swap3A_206 = vector.shape_cast %swap3A_205 : vector<1x16xf32> to vector<16xf32>
        %swap3A_207 = vector.shape_cast %add3A_202 : vector<16xf32> to vector<1x16xf32>
        tpu.vector_store %arg8[%swap3A_203, %swap3A_204], %swap3A_207 {strides = array<i32>} : memref<80x768xf32, #tpu.memory_space<vmem>>, vector<1x16xf32>,
        %add3A_208 = arith.addf %get3A_64, %get3A_128 : vector<16xf32>
        %swap3A_209 = arith.index_cast %scan3A_21 : i32 to index
        %swap3A_210 = arith.constant 160 : index
        %swap3A_211 = tpu.vector_load %arg8[%swap3A_209, %swap3A_210] {strides = array<i32>} : memref<80x768xf32, #tpu.memory_space<vmem>>, vector<1x16xf32>,
        %swap3A_212 = vector.shape_cast %swap3A_211 : vector<1x16xf32> to vector<16xf32>
        %swap3A_213 = vector.shape_cast %add3A_208 : vector<16xf32> to vector<1x16xf32>
        tpu.vector_store %arg8[%swap3A_209, %swap3A_210], %swap3A_213 {strides = array<i32>} : memref<80x768xf32, #tpu.memory_space<vmem>>, vector<1x16xf32>,
        %add3A_214 = arith.addf %get3A_68, %get3A_132 : vector<16xf32>
        %swap3A_215 = arith.index_cast %scan3A_21 : i32 to index
        %swap3A_216 = arith.constant 176 : index
        %swap3A_217 = tpu.vector_load %arg8[%swap3A_215, %swap3A_216] {strides = array<i32>} : memref<80x768xf32, #tpu.memory_space<vmem>>, vector<1x16xf32>,
        %swap3A_218 = vector.shape_cast %swap3A_217 : vector<1x16xf32> to vector<16xf32>
        %swap3A_219 = vector.shape_cast %add3A_214 : vector<16xf32> to vector<1x16xf32>
        tpu.vector_store %arg8[%swap3A_215, %swap3A_216], %swap3A_219 {strides = array<i32>} : memref<80x768xf32, #tpu.memory_space<vmem>>, vector<1x16xf32>,
        %add3A_220 = arith.addf %get3A_72, %get3A_136 : vector<16xf32>
        %swap3A_221 = arith.index_cast %scan3A_21 : i32 to index
        %swap3A_222 = arith.constant 192 : index
        %swap3A_223 = tpu.vector_load %arg8[%swap3A_221, %swap3A_222] {strides = array<i32>} : memref<80x768xf32, #tpu.memory_space<vmem>>, vector<1x16xf32>,
        %swap3A_224 = vector.shape_cast %swap3A_223 : vector<1x16xf32> to vector<16xf32>
        %swap3A_225 = vector.shape_cast %add3A_220 : vector<16xf32> to vector<1x16xf32>
        tpu.vector_store %arg8[%swap3A_221, %swap3A_222], %swap3A_225 {strides = array<i32>} : memref<80x768xf32, #tpu.memory_space<vmem>>, vector<1x16xf32>,
        %add3A_226 = arith.addf %get3A_76, %get3A_140 : vector<16xf32>
        %swap3A_227 = arith.index_cast %scan3A_21 : i32 to index
        %swap3A_228 = arith.constant 208 : index
        %swap3A_229 = tpu.vector_load %arg8[%swap3A_227, %swap3A_228] {strides = array<i32>} : memref<80x768xf32, #tpu.memory_space<vmem>>, vector<1x16xf32>,
        %swap3A_230 = vector.shape_cast %swap3A_229 : vector<1x16xf32> to vector<16xf32>
        %swap3A_231 = vector.shape_cast %add3A_226 : vector<16xf32> to vector<1x16xf32>
        tpu.vector_store %arg8[%swap3A_227, %swap3A_228], %swap3A_231 {strides = array<i32>} : memref<80x768xf32, #tpu.memory_space<vmem>>, vector<1x16xf32>,
        %add3A_232 = arith.addf %get3A_80, %get3A_144 : vector<16xf32>
        %swap3A_233 = arith.index_cast %scan3A_21 : i32 to index
        %swap3A_234 = arith.constant 224 : index
        %swap3A_235 = tpu.vector_load %arg8[%swap3A_233, %swap3A_234] {strides = array<i32>} : memref<80x768xf32, #tpu.memory_space<vmem>>, vector<1x16xf32>,
        %swap3A_236 = vector.shape_cast %swap3A_235 : vector<1x16xf32> to vector<16xf32>
        %swap3A_237 = vector.shape_cast %add3A_232 : vector<16xf32> to vector<1x16xf32>
        tpu.vector_store %arg8[%swap3A_233, %swap3A_234], %swap3A_237 {strides = array<i32>} : memref<80x768xf32, #tpu.memory_space<vmem>>, vector<1x16xf32>,
        %add3A_238 = arith.addf %get3A_84, %get3A_148 : vector<16xf32>
        %swap3A_239 = arith.index_cast %scan3A_21 : i32 to index
        %swap3A_240 = arith.constant 240 : index
        %swap3A_241 = tpu.vector_load %arg8[%swap3A_239, %swap3A_240] {strides = array<i32>} : memref<80x768xf32, #tpu.memory_space<vmem>>, vector<1x16xf32>,
        %swap3A_242 = vector.shape_cast %swap3A_241 : vector<1x16xf32> to vector<16xf32>
        %swap3A_243 = vector.shape_cast %add3A_238 : vector<16xf32> to vector<1x16xf32>
        tpu.vector_store %arg8[%swap3A_239, %swap3A_240], %swap3A_243 {strides = array<i32>} : memref<80x768xf32, #tpu.memory_space<vmem>>, vector<1x16xf32>,
        %get3A_244 = arith.index_cast %scan3A_21 : i32 to index
        %get3A_245 = arith.constant 256 : index
        %get3A_246 = tpu.vector_load %arg8[%get3A_244, %get3A_245] {strides = array<i32>} : memref<80x768xf32, #tpu.memory_space<vmem>>, vector<1x16xf32>,
        %get3A_247 = vector.shape_cast %get3A_246 : vector<1x16xf32> to vector<16xf32>
        %get3A_248 = arith.index_cast %scan3A_21 : i32 to index
        %get3A_249 = arith.constant 272 : index
        %get3A_250 = tpu.vector_load %arg8[%get3A_248, %get3A_249] {strides = array<i32>} : memref<80x768xf32, #tpu.memory_space<vmem>>, vector<1x16xf32>,
        %get3A_251 = vector.shape_cast %get3A_250 : vector<1x16xf32> to vector<16xf32>
        %get3A_252 = arith.index_cast %scan3A_21 : i32 to index
        %get3A_253 = arith.constant 288 : index
        %get3A_254 = tpu.vector_load %arg8[%get3A_252, %get3A_253] {strides = array<i32>} : memref<80x768xf32, #tpu.memory_space<vmem>>, vector<1x16xf32>,
        %get3A_255 = vector.shape_cast %get3A_254 : vector<1x16xf32> to vector<16xf32>
        %get3A_256 = arith.index_cast %scan3A_21 : i32 to index
        %get3A_257 = arith.constant 304 : index
        %get3A_258 = tpu.vector_load %arg8[%get3A_256, %get3A_257] {strides = array<i32>} : memref<80x768xf32, #tpu.memory_space<vmem>>, vector<1x16xf32>,
        %get3A_259 = vector.shape_cast %get3A_258 : vector<1x16xf32> to vector<16xf32>
        %get3A_260 = arith.index_cast %scan3A_21 : i32 to index
        %get3A_261 = arith.constant 320 : index
        %get3A_262 = tpu.vector_load %arg8[%get3A_260, %get3A_261] {strides = array<i32>} : memref<80x768xf32, #tpu.memory_space<vmem>>, vector<1x16xf32>,
        %get3A_263 = vector.shape_cast %get3A_262 : vector<1x16xf32> to vector<16xf32>
        %get3A_264 = arith.index_cast %scan3A_21 : i32 to index
        %get3A_265 = arith.constant 336 : index
        %get3A_266 = tpu.vector_load %arg8[%get3A_264, %get3A_265] {strides = array<i32>} : memref<80x768xf32, #tpu.memory_space<vmem>>, vector<1x16xf32>,
        %get3A_267 = vector.shape_cast %get3A_266 : vector<1x16xf32> to vector<16xf32>
        %get3A_268 = arith.index_cast %scan3A_21 : i32 to index
        %get3A_269 = arith.constant 352 : index
        %get3A_270 = tpu.vector_load %arg8[%get3A_268, %get3A_269] {strides = array<i32>} : memref<80x768xf32, #tpu.memory_space<vmem>>, vector<1x16xf32>,
        %get3A_271 = vector.shape_cast %get3A_270 : vector<1x16xf32> to vector<16xf32>
        %get3A_272 = arith.index_cast %scan3A_21 : i32 to index
        %get3A_273 = arith.constant 368 : index
        %get3A_274 = tpu.vector_load %arg8[%get3A_272, %get3A_273] {strides = array<i32>} : memref<80x768xf32, #tpu.memory_space<vmem>>, vector<1x16xf32>,
        %get3A_275 = vector.shape_cast %get3A_274 : vector<1x16xf32> to vector<16xf32>
        %get3A_276 = arith.index_cast %scan3A_21 : i32 to index
        %get3A_277 = arith.constant 384 : index
        %get3A_278 = tpu.vector_load %arg8[%get3A_276, %get3A_277] {strides = array<i32>} : memref<80x768xf32, #tpu.memory_space<vmem>>, vector<1x16xf32>,
        %get3A_279 = vector.shape_cast %get3A_278 : vector<1x16xf32> to vector<16xf32>
        %get3A_280 = arith.index_cast %scan3A_21 : i32 to index
        %get3A_281 = arith.constant 400 : index
        %get3A_282 = tpu.vector_load %arg8[%get3A_280, %get3A_281] {strides = array<i32>} : memref<80x768xf32, #tpu.memory_space<vmem>>, vector<1x16xf32>,
        %get3A_283 = vector.shape_cast %get3A_282 : vector<1x16xf32> to vector<16xf32>
        %get3A_284 = arith.index_cast %scan3A_21 : i32 to index
        %get3A_285 = arith.constant 416 : index
        %get3A_286 = tpu.vector_load %arg8[%get3A_284, %get3A_285] {strides = array<i32>} : memref<80x768xf32, #tpu.memory_space<vmem>>, vector<1x16xf32>,
        %get3A_287 = vector.shape_cast %get3A_286 : vector<1x16xf32> to vector<16xf32>
        %get3A_288 = arith.index_cast %scan3A_21 : i32 to index
        %get3A_289 = arith.constant 432 : index
        %get3A_290 = tpu.vector_load %arg8[%get3A_288, %get3A_289] {strides = array<i32>} : memref<80x768xf32, #tpu.memory_space<vmem>>, vector<1x16xf32>,
        %get3A_291 = vector.shape_cast %get3A_290 : vector<1x16xf32> to vector<16xf32>
        %get3A_292 = arith.index_cast %scan3A_21 : i32 to index
        %get3A_293 = arith.constant 448 : index
        %get3A_294 = tpu.vector_load %arg8[%get3A_292, %get3A_293] {strides = array<i32>} : memref<80x768xf32, #tpu.memory_space<vmem>>, vector<1x16xf32>,
        %get3A_295 = vector.shape_cast %get3A_294 : vector<1x16xf32> to vector<16xf32>
        %get3A_296 = arith.index_cast %scan3A_21 : i32 to index
        %get3A_297 = arith.constant 464 : index
        %get3A_298 = tpu.vector_load %arg8[%get3A_296, %get3A_297] {strides = array<i32>} : memref<80x768xf32, #tpu.memory_space<vmem>>, vector<1x16xf32>,
        %get3A_299 = vector.shape_cast %get3A_298 : vector<1x16xf32> to vector<16xf32>
        %get3A_300 = arith.index_cast %scan3A_21 : i32 to index
        %get3A_301 = arith.constant 480 : index
        %get3A_302 = tpu.vector_load %arg8[%get3A_300, %get3A_301] {strides = array<i32>} : memref<80x768xf32, #tpu.memory_space<vmem>>, vector<1x16xf32>,
        %get3A_303 = vector.shape_cast %get3A_302 : vector<1x16xf32> to vector<16xf32>
        %get3A_304 = arith.index_cast %scan3A_21 : i32 to index
        %get3A_305 = arith.constant 496 : index
        %get3A_306 = tpu.vector_load %arg8[%get3A_304, %get3A_305] {strides = array<i32>} : memref<80x768xf32, #tpu.memory_space<vmem>>, vector<1x16xf32>,
        %get3A_307 = vector.shape_cast %get3A_306 : vector<1x16xf32> to vector<16xf32>
        %get3A_308 = arith.index_cast %scan3A_21 : i32 to index
        %get3A_309 = arith.constant 256 : index
        %get3A_310 = tpu.vector_load %arg7[%get3A_308, %get3A_309] {strides = array<i32>} : memref<80x768xf32, #tpu.memory_space<vmem>>, vector<1x16xf32>,
        %get3A_311 = vector.shape_cast %get3A_310 : vector<1x16xf32> to vector<16xf32>
        %get3A_312 = arith.index_cast %scan3A_21 : i32 to index
        %get3A_313 = arith.constant 272 : index
        %get3A_314 = tpu.vector_load %arg7[%get3A_312, %get3A_313] {strides = array<i32>} : memref<80x768xf32, #tpu.memory_space<vmem>>, vector<1x16xf32>,
        %get3A_315 = vector.shape_cast %get3A_314 : vector<1x16xf32> to vector<16xf32>
        %get3A_316 = arith.index_cast %scan3A_21 : i32 to index
        %get3A_317 = arith.constant 288 : index
        %get3A_318 = tpu.vector_load %arg7[%get3A_316, %get3A_317] {strides = array<i32>} : memref<80x768xf32, #tpu.memory_space<vmem>>, vector<1x16xf32>,
        %get3A_319 = vector.shape_cast %get3A_318 : vector<1x16xf32> to vector<16xf32>
        %get3A_320 = arith.index_cast %scan3A_21 : i32 to index
        %get3A_321 = arith.constant 304 : index
        %get3A_322 = tpu.vector_load %arg7[%get3A_320, %get3A_321] {strides = array<i32>} : memref<80x768xf32, #tpu.memory_space<vmem>>, vector<1x16xf32>,
        %get3A_323 = vector.shape_cast %get3A_322 : vector<1x16xf32> to vector<16xf32>
        %get3A_324 = arith.index_cast %scan3A_21 : i32 to index
        %get3A_325 = arith.constant 320 : index
        %get3A_326 = tpu.vector_load %arg7[%get3A_324, %get3A_325] {strides = array<i32>} : memref<80x768xf32, #tpu.memory_space<vmem>>, vector<1x16xf32>,
        %get3A_327 = vector.shape_cast %get3A_326 : vector<1x16xf32> to vector<16xf32>
        %get3A_328 = arith.index_cast %scan3A_21 : i32 to index
        %get3A_329 = arith.constant 336 : index
        %get3A_330 = tpu.vector_load %arg7[%get3A_328, %get3A_329] {strides = array<i32>} : memref<80x768xf32, #tpu.memory_space<vmem>>, vector<1x16xf32>,
        %get3A_331 = vector.shape_cast %get3A_330 : vector<1x16xf32> to vector<16xf32>
        %get3A_332 = arith.index_cast %scan3A_21 : i32 to index
        %get3A_333 = arith.constant 352 : index
        %get3A_334 = tpu.vector_load %arg7[%get3A_332, %get3A_333] {strides = array<i32>} : memref<80x768xf32, #tpu.memory_space<vmem>>, vector<1x16xf32>,
        %get3A_335 = vector.shape_cast %get3A_334 : vector<1x16xf32> to vector<16xf32>
        %get3A_336 = arith.index_cast %scan3A_21 : i32 to index
        %get3A_337 = arith.constant 368 : index
        %get3A_338 = tpu.vector_load %arg7[%get3A_336, %get3A_337] {strides = array<i32>} : memref<80x768xf32, #tpu.memory_space<vmem>>, vector<1x16xf32>,
        %get3A_339 = vector.shape_cast %get3A_338 : vector<1x16xf32> to vector<16xf32>
        %get3A_340 = arith.index_cast %scan3A_21 : i32 to index
        %get3A_341 = arith.constant 384 : index
        %get3A_342 = tpu.vector_load %arg7[%get3A_340, %get3A_341] {strides = array<i32>} : memref<80x768xf32, #tpu.memory_space<vmem>>, vector<1x16xf32>,
        %get3A_343 = vector.shape_cast %get3A_342 : vector<1x16xf32> to vector<16xf32>
        %get3A_344 = arith.index_cast %scan3A_21 : i32 to index
        %get3A_345 = arith.constant 400 : index
        %get3A_346 = tpu.vector_load %arg7[%get3A_344, %get3A_345] {strides = array<i32>} : memref<80x768xf32, #tpu.memory_space<vmem>>, vector<1x16xf32>,
        %get3A_347 = vector.shape_cast %get3A_346 : vector<1x16xf32> to vector<16xf32>
        %get3A_348 = arith.index_cast %scan3A_21 : i32 to index
        %get3A_349 = arith.constant 416 : index
        %get3A_350 = tpu.vector_load %arg7[%get3A_348, %get3A_349] {strides = array<i32>} : memref<80x768xf32, #tpu.memory_space<vmem>>, vector<1x16xf32>,
        %get3A_351 = vector.shape_cast %get3A_350 : vector<1x16xf32> to vector<16xf32>
        %get3A_352 = arith.index_cast %scan3A_21 : i32 to index
        %get3A_353 = arith.constant 432 : index
        %get3A_354 = tpu.vector_load %arg7[%get3A_352, %get3A_353] {strides = array<i32>} : memref<80x768xf32, #tpu.memory_space<vmem>>, vector<1x16xf32>,
        %get3A_355 = vector.shape_cast %get3A_354 : vector<1x16xf32> to vector<16xf32>
        %get3A_356 = arith.index_cast %scan3A_21 : i32 to index
        %get3A_357 = arith.constant 448 : index
        %get3A_358 = tpu.vector_load %arg7[%get3A_356, %get3A_357] {strides = array<i32>} : memref<80x768xf32, #tpu.memory_space<vmem>>, vector<1x16xf32>,
        %get3A_359 = vector.shape_cast %get3A_358 : vector<1x16xf32> to vector<16xf32>
        %get3A_360 = arith.index_cast %scan3A_21 : i32 to index
        %get3A_361 = arith.constant 464 : index
        %get3A_362 = tpu.vector_load %arg7[%get3A_360, %get3A_361] {strides = array<i32>} : memref<80x768xf32, #tpu.memory_space<vmem>>, vector<1x16xf32>,
        %get3A_363 = vector.shape_cast %get3A_362 : vector<1x16xf32> to vector<16xf32>
        %get3A_364 = arith.index_cast %scan3A_21 : i32 to index
        %get3A_365 = arith.constant 480 : index
        %get3A_366 = tpu.vector_load %arg7[%get3A_364, %get3A_365] {strides = array<i32>} : memref<80x768xf32, #tpu.memory_space<vmem>>, vector<1x16xf32>,
        %get3A_367 = vector.shape_cast %get3A_366 : vector<1x16xf32> to vector<16xf32>
        %get3A_368 = arith.index_cast %scan3A_21 : i32 to index
        %get3A_369 = arith.constant 496 : index
        %get3A_370 = tpu.vector_load %arg7[%get3A_368, %get3A_369] {strides = array<i32>} : memref<80x768xf32, #tpu.memory_space<vmem>>, vector<1x16xf32>,
        %get3A_371 = vector.shape_cast %get3A_370 : vector<1x16xf32> to vector<16xf32>
        %add3A_372 = arith.addf %get3A_247, %get3A_311 : vector<16xf32>
        %swap3A_373 = arith.index_cast %scan3A_21 : i32 to index
        %swap3A_374 = arith.constant 256 : index
        %swap3A_375 = tpu.vector_load %arg8[%swap3A_373, %swap3A_374] {strides = array<i32>} : memref<80x768xf32, #tpu.memory_space<vmem>>, vector<1x16xf32>,
        %swap3A_376 = vector.shape_cast %swap3A_375 : vector<1x16xf32> to vector<16xf32>
        %swap3A_377 = vector.shape_cast %add3A_372 : vector<16xf32> to vector<1x16xf32>
        tpu.vector_store %arg8[%swap3A_373, %swap3A_374], %swap3A_377 {strides = array<i32>} : memref<80x768xf32, #tpu.memory_space<vmem>>, vector<1x16xf32>,
        %add3A_378 = arith.addf %get3A_251, %get3A_315 : vector<16xf32>
        %swap3A_379 = arith.index_cast %scan3A_21 : i32 to index
        %swap3A_380 = arith.constant 272 : index
        %swap3A_381 = tpu.vector_load %arg8[%swap3A_379, %swap3A_380] {strides = array<i32>} : memref<80x768xf32, #tpu.memory_space<vmem>>, vector<1x16xf32>,
        %swap3A_382 = vector.shape_cast %swap3A_381 : vector<1x16xf32> to vector<16xf32>
        %swap3A_383 = vector.shape_cast %add3A_378 : vector<16xf32> to vector<1x16xf32>
        tpu.vector_store %arg8[%swap3A_379, %swap3A_380], %swap3A_383 {strides = array<i32>} : memref<80x768xf32, #tpu.memory_space<vmem>>, vector<1x16xf32>,
        %add3A_384 = arith.addf %get3A_255, %get3A_319 : vector<16xf32>
        %swap3A_385 = arith.index_cast %scan3A_21 : i32 to index
        %swap3A_386 = arith.constant 288 : index
        %swap3A_387 = tpu.vector_load %arg8[%swap3A_385, %swap3A_386] {strides = array<i32>} : memref<80x768xf32, #tpu.memory_space<vmem>>, vector<1x16xf32>,
        %swap3A_388 = vector.shape_cast %swap3A_387 : vector<1x16xf32> to vector<16xf32>
        %swap3A_389 = vector.shape_cast %add3A_384 : vector<16xf32> to vector<1x16xf32>
        tpu.vector_store %arg8[%swap3A_385, %swap3A_386], %swap3A_389 {strides = array<i32>} : memref<80x768xf32, #tpu.memory_space<vmem>>, vector<1x16xf32>,
        %add3A_390 = arith.addf %get3A_259, %get3A_323 : vector<16xf32>
        %swap3A_391 = arith.index_cast %scan3A_21 : i32 to index
        %swap3A_392 = arith.constant 304 : index
        %swap3A_393 = tpu.vector_load %arg8[%swap3A_391, %swap3A_392] {strides = array<i32>} : memref<80x768xf32, #tpu.memory_space<vmem>>, vector<1x16xf32>,
        %swap3A_394 = vector.shape_cast %swap3A_393 : vector<1x16xf32> to vector<16xf32>
        %swap3A_395 = vector.shape_cast %add3A_390 : vector<16xf32> to vector<1x16xf32>
        tpu.vector_store %arg8[%swap3A_391, %swap3A_392], %swap3A_395 {strides = array<i32>} : memref<80x768xf32, #tpu.memory_space<vmem>>, vector<1x16xf32>,
        %add3A_396 = arith.addf %get3A_263, %get3A_327 : vector<16xf32>
        %swap3A_397 = arith.index_cast %scan3A_21 : i32 to index
        %swap3A_398 = arith.constant 320 : index
        %swap3A_399 = tpu.vector_load %arg8[%swap3A_397, %swap3A_398] {strides = array<i32>} : memref<80x768xf32, #tpu.memory_space<vmem>>, vector<1x16xf32>,
        %swap3A_400 = vector.shape_cast %swap3A_399 : vector<1x16xf32> to vector<16xf32>
        %swap3A_401 = vector.shape_cast %add3A_396 : vector<16xf32> to vector<1x16xf32>
        tpu.vector_store %arg8[%swap3A_397, %swap3A_398], %swap3A_401 {strides = array<i32>} : memref<80x768xf32, #tpu.memory_space<vmem>>, vector<1x16xf32>,
        %add3A_402 = arith.addf %get3A_267, %get3A_331 : vector<16xf32>
        %swap3A_403 = arith.index_cast %scan3A_21 : i32 to index
        %swap3A_404 = arith.constant 336 : index
        %swap3A_405 = tpu.vector_load %arg8[%swap3A_403, %swap3A_404] {strides = array<i32>} : memref<80x768xf32, #tpu.memory_space<vmem>>, vector<1x16xf32>,
        %swap3A_406 = vector.shape_cast %swap3A_405 : vector<1x16xf32> to vector<16xf32>
        %swap3A_407 = vector.shape_cast %add3A_402 : vector<16xf32> to vector<1x16xf32>
        tpu.vector_store %arg8[%swap3A_403, %swap3A_404], %swap3A_407 {strides = array<i32>} : memref<80x768xf32, #tpu.memory_space<vmem>>, vector<1x16xf32>,
        %add3A_408 = arith.addf %get3A_271, %get3A_335 : vector<16xf32>
        %swap3A_409 = arith.index_cast %scan3A_21 : i32 to index
        %swap3A_410 = arith.constant 352 : index
        %swap3A_411 = tpu.vector_load %arg8[%swap3A_409, %swap3A_410] {strides = array<i32>} : memref<80x768xf32, #tpu.memory_space<vmem>>, vector<1x16xf32>,
        %swap3A_412 = vector.shape_cast %swap3A_411 : vector<1x16xf32> to vector<16xf32>
        %swap3A_413 = vector.shape_cast %add3A_408 : vector<16xf32> to vector<1x16xf32>
        tpu.vector_store %arg8[%swap3A_409, %swap3A_410], %swap3A_413 {strides = array<i32>} : memref<80x768xf32, #tpu.memory_space<vmem>>, vector<1x16xf32>,
        %add3A_414 = arith.addf %get3A_275, %get3A_339 : vector<16xf32>
        %swap3A_415 = arith.index_cast %scan3A_21 : i32 to index
        %swap3A_416 = arith.constant 368 : index
        %swap3A_417 = tpu.vector_load %arg8[%swap3A_415, %swap3A_416] {strides = array<i32>} : memref<80x768xf32, #tpu.memory_space<vmem>>, vector<1x16xf32>,
        %swap3A_418 = vector.shape_cast %swap3A_417 : vector<1x16xf32> to vector<16xf32>
        %swap3A_419 = vector.shape_cast %add3A_414 : vector<16xf32> to vector<1x16xf32>
        tpu.vector_store %arg8[%swap3A_415, %swap3A_416], %swap3A_419 {strides = array<i32>} : memref<80x768xf32, #tpu.memory_space<vmem>>, vector<1x16xf32>,
        %add3A_420 = arith.addf %get3A_279, %get3A_343 : vector<16xf32>
        %swap3A_421 = arith.index_cast %scan3A_21 : i32 to index
        %swap3A_422 = arith.constant 384 : index
        %swap3A_423 = tpu.vector_load %arg8[%swap3A_421, %swap3A_422] {strides = array<i32>} : memref<80x768xf32, #tpu.memory_space<vmem>>, vector<1x16xf32>,
        %swap3A_424 = vector.shape_cast %swap3A_423 : vector<1x16xf32> to vector<16xf32>
        %swap3A_425 = vector.shape_cast %add3A_420 : vector<16xf32> to vector<1x16xf32>
        tpu.vector_store %arg8[%swap3A_421, %swap3A_422], %swap3A_425 {strides = array<i32>} : memref<80x768xf32, #tpu.memory_space<vmem>>, vector<1x16xf32>,
        %add3A_426 = arith.addf %get3A_283, %get3A_347 : vector<16xf32>
        %swap3A_427 = arith.index_cast %scan3A_21 : i32 to index
        %swap3A_428 = arith.constant 400 : index
        %swap3A_429 = tpu.vector_load %arg8[%swap3A_427, %swap3A_428] {strides = array<i32>} : memref<80x768xf32, #tpu.memory_space<vmem>>, vector<1x16xf32>,
        %swap3A_430 = vector.shape_cast %swap3A_429 : vector<1x16xf32> to vector<16xf32>
        %swap3A_431 = vector.shape_cast %add3A_426 : vector<16xf32> to vector<1x16xf32>
        tpu.vector_store %arg8[%swap3A_427, %swap3A_428], %swap3A_431 {strides = array<i32>} : memref<80x768xf32, #tpu.memory_space<vmem>>, vector<1x16xf32>,
        %add3A_432 = arith.addf %get3A_287, %get3A_351 : vector<16xf32>
        %swap3A_433 = arith.index_cast %scan3A_21 : i32 to index
        %swap3A_434 = arith.constant 416 : index
        %swap3A_435 = tpu.vector_load %arg8[%swap3A_433, %swap3A_434] {strides = array<i32>} : memref<80x768xf32, #tpu.memory_space<vmem>>, vector<1x16xf32>,
        %swap3A_436 = vector.shape_cast %swap3A_435 : vector<1x16xf32> to vector<16xf32>
        %swap3A_437 = vector.shape_cast %add3A_432 : vector<16xf32> to vector<1x16xf32>
        tpu.vector_store %arg8[%swap3A_433, %swap3A_434], %swap3A_437 {strides = array<i32>} : memref<80x768xf32, #tpu.memory_space<vmem>>, vector<1x16xf32>,
        %add3A_438 = arith.addf %get3A_291, %get3A_355 : vector<16xf32>
        %swap3A_439 = arith.index_cast %scan3A_21 : i32 to index
        %swap3A_440 = arith.constant 432 : index
        %swap3A_441 = tpu.vector_load %arg8[%swap3A_439, %swap3A_440] {strides = array<i32>} : memref<80x768xf32, #tpu.memory_space<vmem>>, vector<1x16xf32>,
        %swap3A_442 = vector.shape_cast %swap3A_441 : vector<1x16xf32> to vector<16xf32>
        %swap3A_443 = vector.shape_cast %add3A_438 : vector<16xf32> to vector<1x16xf32>
        tpu.vector_store %arg8[%swap3A_439, %swap3A_440], %swap3A_443 {strides = array<i32>} : memref<80x768xf32, #tpu.memory_space<vmem>>, vector<1x16xf32>,
        %add3A_444 = arith.addf %get3A_295, %get3A_359 : vector<16xf32>
        %swap3A_445 = arith.index_cast %scan3A_21 : i32 to index
        %swap3A_446 = arith.constant 448 : index
        %swap3A_447 = tpu.vector_load %arg8[%swap3A_445, %swap3A_446] {strides = array<i32>} : memref<80x768xf32, #tpu.memory_space<vmem>>, vector<1x16xf32>,
        %swap3A_448 = vector.shape_cast %swap3A_447 : vector<1x16xf32> to vector<16xf32>
        %swap3A_449 = vector.shape_cast %add3A_444 : vector<16xf32> to vector<1x16xf32>
        tpu.vector_store %arg8[%swap3A_445, %swap3A_446], %swap3A_449 {strides = array<i32>} : memref<80x768xf32, #tpu.memory_space<vmem>>, vector<1x16xf32>,
        %add3A_450 = arith.addf %get3A_299, %get3A_363 : vector<16xf32>
        %swap3A_451 = arith.index_cast %scan3A_21 : i32 to index
        %swap3A_452 = arith.constant 464 : index
        %swap3A_453 = tpu.vector_load %arg8[%swap3A_451, %swap3A_452] {strides = array<i32>} : memref<80x768xf32, #tpu.memory_space<vmem>>, vector<1x16xf32>,
        %swap3A_454 = vector.shape_cast %swap3A_453 : vector<1x16xf32> to vector<16xf32>
        %swap3A_455 = vector.shape_cast %add3A_450 : vector<16xf32> to vector<1x16xf32>
        tpu.vector_store %arg8[%swap3A_451, %swap3A_452], %swap3A_455 {strides = array<i32>} : memref<80x768xf32, #tpu.memory_space<vmem>>, vector<1x16xf32>,
        %add3A_456 = arith.addf %get3A_303, %get3A_367 : vector<16xf32>
        %swap3A_457 = arith.index_cast %scan3A_21 : i32 to index
        %swap3A_458 = arith.constant 480 : index
        %swap3A_459 = tpu.vector_load %arg8[%swap3A_457, %swap3A_458] {strides = array<i32>} : memref<80x768xf32, #tpu.memory_space<vmem>>, vector<1x16xf32>,
        %swap3A_460 = vector.shape_cast %swap3A_459 : vector<1x16xf32> to vector<16xf32>
        %swap3A_461 = vector.shape_cast %add3A_456 : vector<16xf32> to vector<1x16xf32>
        tpu.vector_store %arg8[%swap3A_457, %swap3A_458], %swap3A_461 {strides = array<i32>} : memref<80x768xf32, #tpu.memory_space<vmem>>, vector<1x16xf32>,
        %add3A_462 = arith.addf %get3A_307, %get3A_371 : vector<16xf32>
        %swap3A_463 = arith.index_cast %scan3A_21 : i32 to index
        %swap3A_464 = arith.constant 496 : index
        %swap3A_465 = tpu.vector_load %arg8[%swap3A_463, %swap3A_464] {strides = array<i32>} : memref<80x768xf32, #tpu.memory_space<vmem>>, vector<1x16xf32>,
        %swap3A_466 = vector.shape_cast %swap3A_465 : vector<1x16xf32> to vector<16xf32>
        %swap3A_467 = vector.shape_cast %add3A_462 : vector<16xf32> to vector<1x16xf32>
        tpu.vector_store %arg8[%swap3A_463, %swap3A_464], %swap3A_467 {strides = array<i32>} : memref<80x768xf32, #tpu.memory_space<vmem>>, vector<1x16xf32>,
        %get3A_468 = arith.index_cast %scan3A_21 : i32 to index
        %get3A_469 = arith.constant 512 : index
        %get3A_470 = tpu.vector_load %arg8[%get3A_468, %get3A_469] {strides = array<i32>} : memref<80x768xf32, #tpu.memory_space<vmem>>, vector<1x16xf32>,
        %get3A_471 = vector.shape_cast %get3A_470 : vector<1x16xf32> to vector<16xf32>
        %get3A_472 = arith.index_cast %scan3A_21 : i32 to index
        %get3A_473 = arith.constant 528 : index
        %get3A_474 = tpu.vector_load %arg8[%get3A_472, %get3A_473] {strides = array<i32>} : memref<80x768xf32, #tpu.memory_space<vmem>>, vector<1x16xf32>,
        %get3A_475 = vector.shape_cast %get3A_474 : vector<1x16xf32> to vector<16xf32>
        %get3A_476 = arith.index_cast %scan3A_21 : i32 to index
        %get3A_477 = arith.constant 544 : index
        %get3A_478 = tpu.vector_load %arg8[%get3A_476, %get3A_477] {strides = array<i32>} : memref<80x768xf32, #tpu.memory_space<vmem>>, vector<1x16xf32>,
        %get3A_479 = vector.shape_cast %get3A_478 : vector<1x16xf32> to vector<16xf32>
        %get3A_480 = arith.index_cast %scan3A_21 : i32 to index
        %get3A_481 = arith.constant 560 : index
        %get3A_482 = tpu.vector_load %arg8[%get3A_480, %get3A_481] {strides = array<i32>} : memref<80x768xf32, #tpu.memory_space<vmem>>, vector<1x16xf32>,
        %get3A_483 = vector.shape_cast %get3A_482 : vector<1x16xf32> to vector<16xf32>
        %get3A_484 = arith.index_cast %scan3A_21 : i32 to index
        %get3A_485 = arith.constant 576 : index
        %get3A_486 = tpu.vector_load %arg8[%get3A_484, %get3A_485] {strides = array<i32>} : memref<80x768xf32, #tpu.memory_space<vmem>>, vector<1x16xf32>,
        %get3A_487 = vector.shape_cast %get3A_486 : vector<1x16xf32> to vector<16xf32>
        %get3A_488 = arith.index_cast %scan3A_21 : i32 to index
        %get3A_489 = arith.constant 592 : index
        %get3A_490 = tpu.vector_load %arg8[%get3A_488, %get3A_489] {strides = array<i32>} : memref<80x768xf32, #tpu.memory_space<vmem>>, vector<1x16xf32>,
        %get3A_491 = vector.shape_cast %get3A_490 : vector<1x16xf32> to vector<16xf32>
        %get3A_492 = arith.index_cast %scan3A_21 : i32 to index
        %get3A_493 = arith.constant 608 : index
        %get3A_494 = tpu.vector_load %arg8[%get3A_492, %get3A_493] {strides = array<i32>} : memref<80x768xf32, #tpu.memory_space<vmem>>, vector<1x16xf32>,
        %get3A_495 = vector.shape_cast %get3A_494 : vector<1x16xf32> to vector<16xf32>
        %get3A_496 = arith.index_cast %scan3A_21 : i32 to index
        %get3A_497 = arith.constant 624 : index
        %get3A_498 = tpu.vector_load %arg8[%get3A_496, %get3A_497] {strides = array<i32>} : memref<80x768xf32, #tpu.memory_space<vmem>>, vector<1x16xf32>,
        %get3A_499 = vector.shape_cast %get3A_498 : vector<1x16xf32> to vector<16xf32>
        %get3A_500 = arith.index_cast %scan3A_21 : i32 to index
        %get3A_501 = arith.constant 640 : index
        %get3A_502 = tpu.vector_load %arg8[%get3A_500, %get3A_501] {strides = array<i32>} : memref<80x768xf32, #tpu.memory_space<vmem>>, vector<1x16xf32>,
        %get3A_503 = vector.shape_cast %get3A_502 : vector<1x16xf32> to vector<16xf32>
        %get3A_504 = arith.index_cast %scan3A_21 : i32 to index
        %get3A_505 = arith.constant 656 : index
        %get3A_506 = tpu.vector_load %arg8[%get3A_504, %get3A_505] {strides = array<i32>} : memref<80x768xf32, #tpu.memory_space<vmem>>, vector<1x16xf32>,
        %get3A_507 = vector.shape_cast %get3A_506 : vector<1x16xf32> to vector<16xf32>
        %get3A_508 = arith.index_cast %scan3A_21 : i32 to index
        %get3A_509 = arith.constant 672 : index
        %get3A_510 = tpu.vector_load %arg8[%get3A_508, %get3A_509] {strides = array<i32>} : memref<80x768xf32, #tpu.memory_space<vmem>>, vector<1x16xf32>,
        %get3A_511 = vector.shape_cast %get3A_510 : vector<1x16xf32> to vector<16xf32>
        %get3A_512 = arith.index_cast %scan3A_21 : i32 to index
        %get3A_513 = arith.constant 688 : index
        %get3A_514 = tpu.vector_load %arg8[%get3A_512, %get3A_513] {strides = array<i32>} : memref<80x768xf32, #tpu.memory_space<vmem>>, vector<1x16xf32>,
        %get3A_515 = vector.shape_cast %get3A_514 : vector<1x16xf32> to vector<16xf32>
        %get3A_516 = arith.index_cast %scan3A_21 : i32 to index
        %get3A_517 = arith.constant 704 : index
        %get3A_518 = tpu.vector_load %arg8[%get3A_516, %get3A_517] {strides = array<i32>} : memref<80x768xf32, #tpu.memory_space<vmem>>, vector<1x16xf32>,
        %get3A_519 = vector.shape_cast %get3A_518 : vector<1x16xf32> to vector<16xf32>
        %get3A_520 = arith.index_cast %scan3A_21 : i32 to index
        %get3A_521 = arith.constant 720 : index
        %get3A_522 = tpu.vector_load %arg8[%get3A_520, %get3A_521] {strides = array<i32>} : memref<80x768xf32, #tpu.memory_space<vmem>>, vector<1x16xf32>,
        %get3A_523 = vector.shape_cast %get3A_522 : vector<1x16xf32> to vector<16xf32>
        %get3A_524 = arith.index_cast %scan3A_21 : i32 to index
        %get3A_525 = arith.constant 736 : index
        %get3A_526 = tpu.vector_load %arg8[%get3A_524, %get3A_525] {strides = array<i32>} : memref<80x768xf32, #tpu.memory_space<vmem>>, vector<1x16xf32>,
        %get3A_527 = vector.shape_cast %get3A_526 : vector<1x16xf32> to vector<16xf32>
        %get3A_528 = arith.index_cast %scan3A_21 : i32 to index
        %get3A_529 = arith.constant 752 : index
        %get3A_530 = tpu.vector_load %arg8[%get3A_528, %get3A_529] {strides = array<i32>} : memref<80x768xf32, #tpu.memory_space<vmem>>, vector<1x16xf32>,
        %get3A_531 = vector.shape_cast %get3A_530 : vector<1x16xf32> to vector<16xf32>
        %get3A_532 = arith.index_cast %scan3A_21 : i32 to index
        %get3A_533 = arith.constant 512 : index
        %get3A_534 = tpu.vector_load %arg7[%get3A_532, %get3A_533] {strides = array<i32>} : memref<80x768xf32, #tpu.memory_space<vmem>>, vector<1x16xf32>,
        %get3A_535 = vector.shape_cast %get3A_534 : vector<1x16xf32> to vector<16xf32>
        %get3A_536 = arith.index_cast %scan3A_21 : i32 to index
        %get3A_537 = arith.constant 528 : index
        %get3A_538 = tpu.vector_load %arg7[%get3A_536, %get3A_537] {strides = array<i32>} : memref<80x768xf32, #tpu.memory_space<vmem>>, vector<1x16xf32>,
        %get3A_539 = vector.shape_cast %get3A_538 : vector<1x16xf32> to vector<16xf32>
        %get3A_540 = arith.index_cast %scan3A_21 : i32 to index
        %get3A_541 = arith.constant 544 : index
        %get3A_542 = tpu.vector_load %arg7[%get3A_540, %get3A_541] {strides = array<i32>} : memref<80x768xf32, #tpu.memory_space<vmem>>, vector<1x16xf32>,
        %get3A_543 = vector.shape_cast %get3A_542 : vector<1x16xf32> to vector<16xf32>
        %get3A_544 = arith.index_cast %scan3A_21 : i32 to index
        %get3A_545 = arith.constant 560 : index
        %get3A_546 = tpu.vector_load %arg7[%get3A_544, %get3A_545] {strides = array<i32>} : memref<80x768xf32, #tpu.memory_space<vmem>>, vector<1x16xf32>,
        %get3A_547 = vector.shape_cast %get3A_546 : vector<1x16xf32> to vector<16xf32>
        %get3A_548 = arith.index_cast %scan3A_21 : i32 to index
        %get3A_549 = arith.constant 576 : index
        %get3A_550 = tpu.vector_load %arg7[%get3A_548, %get3A_549] {strides = array<i32>} : memref<80x768xf32, #tpu.memory_space<vmem>>, vector<1x16xf32>,
        %get3A_551 = vector.shape_cast %get3A_550 : vector<1x16xf32> to vector<16xf32>
        %get3A_552 = arith.index_cast %scan3A_21 : i32 to index
        %get3A_553 = arith.constant 592 : index
        %get3A_554 = tpu.vector_load %arg7[%get3A_552, %get3A_553] {strides = array<i32>} : memref<80x768xf32, #tpu.memory_space<vmem>>, vector<1x16xf32>,
        %get3A_555 = vector.shape_cast %get3A_554 : vector<1x16xf32> to vector<16xf32>
        %get3A_556 = arith.index_cast %scan3A_21 : i32 to index
        %get3A_557 = arith.constant 608 : index
        %get3A_558 = tpu.vector_load %arg7[%get3A_556, %get3A_557] {strides = array<i32>} : memref<80x768xf32, #tpu.memory_space<vmem>>, vector<1x16xf32>,
        %get3A_559 = vector.shape_cast %get3A_558 : vector<1x16xf32> to vector<16xf32>
        %get3A_560 = arith.index_cast %scan3A_21 : i32 to index
        %get3A_561 = arith.constant 624 : index
        %get3A_562 = tpu.vector_load %arg7[%get3A_560, %get3A_561] {strides = array<i32>} : memref<80x768xf32, #tpu.memory_space<vmem>>, vector<1x16xf32>,
        %get3A_563 = vector.shape_cast %get3A_562 : vector<1x16xf32> to vector<16xf32>
        %get3A_564 = arith.index_cast %scan3A_21 : i32 to index
        %get3A_565 = arith.constant 640 : index
        %get3A_566 = tpu.vector_load %arg7[%get3A_564, %get3A_565] {strides = array<i32>} : memref<80x768xf32, #tpu.memory_space<vmem>>, vector<1x16xf32>,
        %get3A_567 = vector.shape_cast %get3A_566 : vector<1x16xf32> to vector<16xf32>
        %get3A_568 = arith.index_cast %scan3A_21 : i32 to index
        %get3A_569 = arith.constant 656 : index
        %get3A_570 = tpu.vector_load %arg7[%get3A_568, %get3A_569] {strides = array<i32>} : memref<80x768xf32, #tpu.memory_space<vmem>>, vector<1x16xf32>,
        %get3A_571 = vector.shape_cast %get3A_570 : vector<1x16xf32> to vector<16xf32>
        %get3A_572 = arith.index_cast %scan3A_21 : i32 to index
        %get3A_573 = arith.constant 672 : index
        %get3A_574 = tpu.vector_load %arg7[%get3A_572, %get3A_573] {strides = array<i32>} : memref<80x768xf32, #tpu.memory_space<vmem>>, vector<1x16xf32>,
        %get3A_575 = vector.shape_cast %get3A_574 : vector<1x16xf32> to vector<16xf32>
        %get3A_576 = arith.index_cast %scan3A_21 : i32 to index
        %get3A_577 = arith.constant 688 : index
        %get3A_578 = tpu.vector_load %arg7[%get3A_576, %get3A_577] {strides = array<i32>} : memref<80x768xf32, #tpu.memory_space<vmem>>, vector<1x16xf32>,
        %get3A_579 = vector.shape_cast %get3A_578 : vector<1x16xf32> to vector<16xf32>
        %get3A_580 = arith.index_cast %scan3A_21 : i32 to index
        %get3A_581 = arith.constant 704 : index
        %get3A_582 = tpu.vector_load %arg7[%get3A_580, %get3A_581] {strides = array<i32>} : memref<80x768xf32, #tpu.memory_space<vmem>>, vector<1x16xf32>,
        %get3A_583 = vector.shape_cast %get3A_582 : vector<1x16xf32> to vector<16xf32>
        %get3A_584 = arith.index_cast %scan3A_21 : i32 to index
        %get3A_585 = arith.constant 720 : index
        %get3A_586 = tpu.vector_load %arg7[%get3A_584, %get3A_585] {strides = array<i32>} : memref<80x768xf32, #tpu.memory_space<vmem>>, vector<1x16xf32>,
        %get3A_587 = vector.shape_cast %get3A_586 : vector<1x16xf32> to vector<16xf32>
        %get3A_588 = arith.index_cast %scan3A_21 : i32 to index
        %get3A_589 = arith.constant 736 : index
        %get3A_590 = tpu.vector_load %arg7[%get3A_588, %get3A_589] {strides = array<i32>} : memref<80x768xf32, #tpu.memory_space<vmem>>, vector<1x16xf32>,
        %get3A_591 = vector.shape_cast %get3A_590 : vector<1x16xf32> to vector<16xf32>
        %get3A_592 = arith.index_cast %scan3A_21 : i32 to index
        %get3A_593 = arith.constant 752 : index
        %get3A_594 = tpu.vector_load %arg7[%get3A_592, %get3A_593] {strides = array<i32>} : memref<80x768xf32, #tpu.memory_space<vmem>>, vector<1x16xf32>,
        %get3A_595 = vector.shape_cast %get3A_594 : vector<1x16xf32> to vector<16xf32>
        %add3A_596 = arith.addf %get3A_471, %get3A_535 : vector<16xf32>
        %swap3A_597 = arith.index_cast %scan3A_21 : i32 to index
        %swap3A_598 = arith.constant 512 : index
        %swap3A_599 = tpu.vector_load %arg8[%swap3A_597, %swap3A_598] {strides = array<i32>} : memref<80x768xf32, #tpu.memory_space<vmem>>, vector<1x16xf32>,
        %swap3A_600 = vector.shape_cast %swap3A_599 : vector<1x16xf32> to vector<16xf32>
        %swap3A_601 = vector.shape_cast %add3A_596 : vector<16xf32> to vector<1x16xf32>
        tpu.vector_store %arg8[%swap3A_597, %swap3A_598], %swap3A_601 {strides = array<i32>} : memref<80x768xf32, #tpu.memory_space<vmem>>, vector<1x16xf32>,
        %add3A_602 = arith.addf %get3A_475, %get3A_539 : vector<16xf32>
        %swap3A_603 = arith.index_cast %scan3A_21 : i32 to index
        %swap3A_604 = arith.constant 528 : index
        %swap3A_605 = tpu.vector_load %arg8[%swap3A_603, %swap3A_604] {strides = array<i32>} : memref<80x768xf32, #tpu.memory_space<vmem>>, vector<1x16xf32>,
        %swap3A_606 = vector.shape_cast %swap3A_605 : vector<1x16xf32> to vector<16xf32>
        %swap3A_607 = vector.shape_cast %add3A_602 : vector<16xf32> to vector<1x16xf32>
        tpu.vector_store %arg8[%swap3A_603, %swap3A_604], %swap3A_607 {strides = array<i32>} : memref<80x768xf32, #tpu.memory_space<vmem>>, vector<1x16xf32>,
        %add3A_608 = arith.addf %get3A_479, %get3A_543 : vector<16xf32>
        %swap3A_609 = arith.index_cast %scan3A_21 : i32 to index
        %swap3A_610 = arith.constant 544 : index
        %swap3A_611 = tpu.vector_load %arg8[%swap3A_609, %swap3A_610] {strides = array<i32>} : memref<80x768xf32, #tpu.memory_space<vmem>>, vector<1x16xf32>,
        %swap3A_612 = vector.shape_cast %swap3A_611 : vector<1x16xf32> to vector<16xf32>
        %swap3A_613 = vector.shape_cast %add3A_608 : vector<16xf32> to vector<1x16xf32>
        tpu.vector_store %arg8[%swap3A_609, %swap3A_610], %swap3A_613 {strides = array<i32>} : memref<80x768xf32, #tpu.memory_space<vmem>>, vector<1x16xf32>,
        %add3A_614 = arith.addf %get3A_483, %get3A_547 : vector<16xf32>
        %swap3A_615 = arith.index_cast %scan3A_21 : i32 to index
        %swap3A_616 = arith.constant 560 : index
        %swap3A_617 = tpu.vector_load %arg8[%swap3A_615, %swap3A_616] {strides = array<i32>} : memref<80x768xf32, #tpu.memory_space<vmem>>, vector<1x16xf32>,
        %swap3A_618 = vector.shape_cast %swap3A_617 : vector<1x16xf32> to vector<16xf32>
        %swap3A_619 = vector.shape_cast %add3A_614 : vector<16xf32> to vector<1x16xf32>
        tpu.vector_store %arg8[%swap3A_615, %swap3A_616], %swap3A_619 {strides = array<i32>} : memref<80x768xf32, #tpu.memory_space<vmem>>, vector<1x16xf32>,
        %add3A_620 = arith.addf %get3A_487, %get3A_551 : vector<16xf32>
        %swap3A_621 = arith.index_cast %scan3A_21 : i32 to index
        %swap3A_622 = arith.constant 576 : index
        %swap3A_623 = tpu.vector_load %arg8[%swap3A_621, %swap3A_622] {strides = array<i32>} : memref<80x768xf32, #tpu.memory_space<vmem>>, vector<1x16xf32>,
        %swap3A_624 = vector.shape_cast %swap3A_623 : vector<1x16xf32> to vector<16xf32>
        %swap3A_625 = vector.shape_cast %add3A_620 : vector<16xf32> to vector<1x16xf32>
        tpu.vector_store %arg8[%swap3A_621, %swap3A_622], %swap3A_625 {strides = array<i32>} : memref<80x768xf32, #tpu.memory_space<vmem>>, vector<1x16xf32>,
        %add3A_626 = arith.addf %get3A_491, %get3A_555 : vector<16xf32>
        %swap3A_627 = arith.index_cast %scan3A_21 : i32 to index
        %swap3A_628 = arith.constant 592 : index
        %swap3A_629 = tpu.vector_load %arg8[%swap3A_627, %swap3A_628] {strides = array<i32>} : memref<80x768xf32, #tpu.memory_space<vmem>>, vector<1x16xf32>,
        %swap3A_630 = vector.shape_cast %swap3A_629 : vector<1x16xf32> to vector<16xf32>
        %swap3A_631 = vector.shape_cast %add3A_626 : vector<16xf32> to vector<1x16xf32>
        tpu.vector_store %arg8[%swap3A_627, %swap3A_628], %swap3A_631 {strides = array<i32>} : memref<80x768xf32, #tpu.memory_space<vmem>>, vector<1x16xf32>,
        %add3A_632 = arith.addf %get3A_495, %get3A_559 : vector<16xf32>
        %swap3A_633 = arith.index_cast %scan3A_21 : i32 to index
        %swap3A_634 = arith.constant 608 : index
        %swap3A_635 = tpu.vector_load %arg8[%swap3A_633, %swap3A_634] {strides = array<i32>} : memref<80x768xf32, #tpu.memory_space<vmem>>, vector<1x16xf32>,
        %swap3A_636 = vector.shape_cast %swap3A_635 : vector<1x16xf32> to vector<16xf32>
        %swap3A_637 = vector.shape_cast %add3A_632 : vector<16xf32> to vector<1x16xf32>
        tpu.vector_store %arg8[%swap3A_633, %swap3A_634], %swap3A_637 {strides = array<i32>} : memref<80x768xf32, #tpu.memory_space<vmem>>, vector<1x16xf32>,
        %add3A_638 = arith.addf %get3A_499, %get3A_563 : vector<16xf32>
        %swap3A_639 = arith.index_cast %scan3A_21 : i32 to index
        %swap3A_640 = arith.constant 624 : index
        %swap3A_641 = tpu.vector_load %arg8[%swap3A_639, %swap3A_640] {strides = array<i32>} : memref<80x768xf32, #tpu.memory_space<vmem>>, vector<1x16xf32>,
        %swap3A_642 = vector.shape_cast %swap3A_641 : vector<1x16xf32> to vector<16xf32>
        %swap3A_643 = vector.shape_cast %add3A_638 : vector<16xf32> to vector<1x16xf32>
        tpu.vector_store %arg8[%swap3A_639, %swap3A_640], %swap3A_643 {strides = array<i32>} : memref<80x768xf32, #tpu.memory_space<vmem>>, vector<1x16xf32>,
        %add3A_644 = arith.addf %get3A_503, %get3A_567 : vector<16xf32>
        %swap3A_645 = arith.index_cast %scan3A_21 : i32 to index
        %swap3A_646 = arith.constant 640 : index
        %swap3A_647 = tpu.vector_load %arg8[%swap3A_645, %swap3A_646] {strides = array<i32>} : memref<80x768xf32, #tpu.memory_space<vmem>>, vector<1x16xf32>,
        %swap3A_648 = vector.shape_cast %swap3A_647 : vector<1x16xf32> to vector<16xf32>
        %swap3A_649 = vector.shape_cast %add3A_644 : vector<16xf32> to vector<1x16xf32>
        tpu.vector_store %arg8[%swap3A_645, %swap3A_646], %swap3A_649 {strides = array<i32>} : memref<80x768xf32, #tpu.memory_space<vmem>>, vector<1x16xf32>,
        %add3A_650 = arith.addf %get3A_507, %get3A_571 : vector<16xf32>
        %swap3A_651 = arith.index_cast %scan3A_21 : i32 to index
        %swap3A_652 = arith.constant 656 : index
        %swap3A_653 = tpu.vector_load %arg8[%swap3A_651, %swap3A_652] {strides = array<i32>} : memref<80x768xf32, #tpu.memory_space<vmem>>, vector<1x16xf32>,
        %swap3A_654 = vector.shape_cast %swap3A_653 : vector<1x16xf32> to vector<16xf32>
        %swap3A_655 = vector.shape_cast %add3A_650 : vector<16xf32> to vector<1x16xf32>
        tpu.vector_store %arg8[%swap3A_651, %swap3A_652], %swap3A_655 {strides = array<i32>} : memref<80x768xf32, #tpu.memory_space<vmem>>, vector<1x16xf32>,
        %add3A_656 = arith.addf %get3A_511, %get3A_575 : vector<16xf32>
        %swap3A_657 = arith.index_cast %scan3A_21 : i32 to index
        %swap3A_658 = arith.constant 672 : index
        %swap3A_659 = tpu.vector_load %arg8[%swap3A_657, %swap3A_658] {strides = array<i32>} : memref<80x768xf32, #tpu.memory_space<vmem>>, vector<1x16xf32>,
        %swap3A_660 = vector.shape_cast %swap3A_659 : vector<1x16xf32> to vector<16xf32>
        %swap3A_661 = vector.shape_cast %add3A_656 : vector<16xf32> to vector<1x16xf32>
        tpu.vector_store %arg8[%swap3A_657, %swap3A_658], %swap3A_661 {strides = array<i32>} : memref<80x768xf32, #tpu.memory_space<vmem>>, vector<1x16xf32>,
        %add3A_662 = arith.addf %get3A_515, %get3A_579 : vector<16xf32>
        %swap3A_663 = arith.index_cast %scan3A_21 : i32 to index
        %swap3A_664 = arith.constant 688 : index
        %swap3A_665 = tpu.vector_load %arg8[%swap3A_663, %swap3A_664] {strides = array<i32>} : memref<80x768xf32, #tpu.memory_space<vmem>>, vector<1x16xf32>,
        %swap3A_666 = vector.shape_cast %swap3A_665 : vector<1x16xf32> to vector<16xf32>
        %swap3A_667 = vector.shape_cast %add3A_662 : vector<16xf32> to vector<1x16xf32>
        tpu.vector_store %arg8[%swap3A_663, %swap3A_664], %swap3A_667 {strides = array<i32>} : memref<80x768xf32, #tpu.memory_space<vmem>>, vector<1x16xf32>,
        %add3A_668 = arith.addf %get3A_519, %get3A_583 : vector<16xf32>
        %swap3A_669 = arith.index_cast %scan3A_21 : i32 to index
        %swap3A_670 = arith.constant 704 : index
        %swap3A_671 = tpu.vector_load %arg8[%swap3A_669, %swap3A_670] {strides = array<i32>} : memref<80x768xf32, #tpu.memory_space<vmem>>, vector<1x16xf32>,
        %swap3A_672 = vector.shape_cast %swap3A_671 : vector<1x16xf32> to vector<16xf32>
        %swap3A_673 = vector.shape_cast %add3A_668 : vector<16xf32> to vector<1x16xf32>
        tpu.vector_store %arg8[%swap3A_669, %swap3A_670], %swap3A_673 {strides = array<i32>} : memref<80x768xf32, #tpu.memory_space<vmem>>, vector<1x16xf32>,
        %add3A_674 = arith.addf %get3A_523, %get3A_587 : vector<16xf32>
        %swap3A_675 = arith.index_cast %scan3A_21 : i32 to index
        %swap3A_676 = arith.constant 720 : index
        %swap3A_677 = tpu.vector_load %arg8[%swap3A_675, %swap3A_676] {strides = array<i32>} : memref<80x768xf32, #tpu.memory_space<vmem>>, vector<1x16xf32>,
        %swap3A_678 = vector.shape_cast %swap3A_677 : vector<1x16xf32> to vector<16xf32>
        %swap3A_679 = vector.shape_cast %add3A_674 : vector<16xf32> to vector<1x16xf32>
        tpu.vector_store %arg8[%swap3A_675, %swap3A_676], %swap3A_679 {strides = array<i32>} : memref<80x768xf32, #tpu.memory_space<vmem>>, vector<1x16xf32>,
        %add3A_680 = arith.addf %get3A_527, %get3A_591 : vector<16xf32>
        %swap3A_681 = arith.index_cast %scan3A_21 : i32 to index
        %swap3A_682 = arith.constant 736 : index
        %swap3A_683 = tpu.vector_load %arg8[%swap3A_681, %swap3A_682] {strides = array<i32>} : memref<80x768xf32, #tpu.memory_space<vmem>>, vector<1x16xf32>,
        %swap3A_684 = vector.shape_cast %swap3A_683 : vector<1x16xf32> to vector<16xf32>
        %swap3A_685 = vector.shape_cast %add3A_680 : vector<16xf32> to vector<1x16xf32>
        tpu.vector_store %arg8[%swap3A_681, %swap3A_682], %swap3A_685 {strides = array<i32>} : memref<80x768xf32, #tpu.memory_space<vmem>>, vector<1x16xf32>,
        %add3A_686 = arith.addf %get3A_531, %get3A_595 : vector<16xf32>
        %swap3A_687 = arith.index_cast %scan3A_21 : i32 to index
        %swap3A_688 = arith.constant 752 : index
        %swap3A_689 = tpu.vector_load %arg8[%swap3A_687, %swap3A_688] {strides = array<i32>} : memref<80x768xf32, #tpu.memory_space<vmem>>, vector<1x16xf32>,
        %swap3A_690 = vector.shape_cast %swap3A_689 : vector<1x16xf32> to vector<16xf32>
        %swap3A_691 = vector.shape_cast %add3A_686 : vector<16xf32> to vector<1x16xf32>
        tpu.vector_store %arg8[%swap3A_687, %swap3A_688], %swap3A_691 {strides = array<i32>} : memref<80x768xf32, #tpu.memory_space<vmem>>, vector<1x16xf32>,
      }
      %scan3A_19 = arith.constant 80 : i32
      %add3A_20 = arith.addi %mul3A_2, %scan3A_8 : i32
      "tpu.region"() ({
        %run_scoped3A = tpu.sem_alloc : memref<!tpu.dma_semaphore, #tpu.memory_space<semaphore_mem>>
        %dma_start3A_21 = arith.constant 0 : i32
        %dma_start3A_22 = arith.constant 0 : i32
        %dma_start3A_23 = tpu.memref_slice %arg5[%add3A_20, %dma_start3A_21, %dma_start3A_22] : memref<4096x80x768xf32, #tpu.memory_space<hbm>> -> memref<1x80x768xf32, #tpu.memory_space<hbm>>
        %dma_start3A_24 = tpu.memref_squeeze %dma_start3A_23 : memref<1x80x768xf32, #tpu.memory_space<hbm>> -> memref<80x768xf32, #tpu.memory_space<hbm>>
        %dma_start3A_25 = arith.constant 0 : i32
        %dma_start3A_26 = arith.constant 0 : i32
        %dma_start3A_27 = tpu.memref_slice %arg5[%add3A_20, %dma_start3A_25, %dma_start3A_26] : memref<4096x80x768xf32, #tpu.memory_space<hbm>> -> memref<1x80x768xf32, #tpu.memory_space<hbm>>
        %dma_start3A_28 = tpu.memref_squeeze %dma_start3A_27 : memref<1x80x768xf32, #tpu.memory_space<hbm>> -> memref<80x768xf32, #tpu.memory_space<hbm>>
        tpu.enqueue_dma source(%arg8 : memref<80x768xf32, #tpu.memory_space<vmem>>) target(%dma_start3A_28 : memref<80x768xf32, #tpu.memory_space<hbm>>) target_semaphore(%run_scoped3A : memref<!tpu.dma_semaphore, #tpu.memory_space<semaphore_mem>>)
        %dma_wait3A_29 = arith.constant 0 : i32
        %dma_wait3A_30 = arith.constant 0 : i32
        %dma_wait3A_31 = tpu.memref_slice %arg5[%add3A_20, %dma_wait3A_29, %dma_wait3A_30] : memref<4096x80x768xf32, #tpu.memory_space<hbm>> -> memref<1x80x768xf32, #tpu.memory_space<hbm>>
        %dma_wait3A_32 = tpu.memref_squeeze %dma_wait3A_31 : memref<1x80x768xf32, #tpu.memory_space<hbm>> -> memref<80x768xf32, #tpu.memory_space<hbm>>
        %dma_wait3A_33 = arith.constant 0 : i32
        %dma_wait3A_34 = arith.constant 0 : i32
        %dma_wait3A_35 = tpu.memref_slice %arg5[%add3A_20, %dma_wait3A_33, %dma_wait3A_34] : memref<4096x80x768xf32, #tpu.memory_space<hbm>> -> memref<1x80x768xf32, #tpu.memory_space<hbm>>
        %dma_wait3A_36 = tpu.memref_squeeze %dma_wait3A_35 : memref<1x80x768xf32, #tpu.memory_space<hbm>> -> memref<80x768xf32, #tpu.memory_space<hbm>>
        tpu.wait_dma2 semaphore(%run_scoped3A : memref<!tpu.dma_semaphore, #tpu.memory_space<semaphore_mem>>) src(%arg8 : memref<80x768xf32, #tpu.memory_space<vmem>>) dst(%dma_wait3A_36 : memref<80x768xf32, #tpu.memory_space<hbm>>)
        tpu.yield
      }) : () -> ()
    }
    %scan3A_7 = arith.constant 128 : i32
    return
  }
}

</mosaic_0001>

<sc_bundles>
// kernel: kernel.3.cloned.1.call-start
scs
__scs_entry_jumppad:
0x0: {  	(pc) =	sbr.rel $0x88, $3  }
0x1: {  	(tag) =	ssettag $0x0;
	lr =	simm.s32 $0x1  }
0x2: {  	[smem:$0x3F9E] =	sst lr;
	_ =	strace $0xD0000000  }
0x3: {  	_ = 	snop  }
0x4: {  	_ = 	snop  }
0x5: {  	_ = 	snop  }
0x6: {  	_ = 	snop  }
0x7: {  	_ = 	snop  }
__scs_overlays_trampoline_lowered:
0x8: {  	[smem:$0x3FAD] =	sst s0  }
0x9: {  	[smem:$0x3FAE] =	sst s1  }
0xa: {  	[smem:$0x3FAF] =	sst s2  }
0xb: {  	[smem:$0x3FB0] =	sst s3  }
0xc: {  	[smem:$0x3FB1] =	sst s4  }
0xd: {  	[smem:$0x3FB2] =	sst s5  }
0xe: {  	[smem:$0x3FB3] =	sst s6  }
0xf: {  	[smem:$0x3FB4] =	sst s7  }
0x10: {  	[smem:$0x3FB5] =	sst s8  }
0x11: {  	[smem:$0x3FB6] =	sst s9;
	s0 =	simm.s32 @!p0 $0x0  }
0x12: {  	s1 =	sld [smem:$0x3F9C];
	s0 =	simm.s32 @p0 $0x1  }
0x13: {  	[smem:$0x3FB7] =	sst s0;
	s0 =	simm.s32 @!p1 $0x0  }
0x14: {  	s2 =	sld [smem:$0x3F9B];
	s0 =	simm.s32 @p1 $0x1  }
0x15: {  	[smem:$0x3FB8] =	sst s0;
	s0 =	simm.s32 @!p2 $0x0  }
0x16: {  	s3 =	sld [smem:$0x3FDB];
	s0 =	simm.s32 @p2 $0x1  }
0x17: {  	s4 =	simm.s32 $0x1BF5;
	[smem:$0x3FBA] =	sst s0  }
0x18: {  	s0 =	sld [smem:$0x3F9D];
	_ =	swait.ge [sflag:s4], $0x0  }
0x19: {  	s7 =	sld [smem:$0x3F9E]  }
0x1a: {  	s8 =	sadd.s32 $0xFFFFE003, lr  }
0x1b: {  	s9 =	sadd.s32 $0xFFFFFEF7, lr;
	s5 =	simm.s32 $0xFFFFFFFF;
	p2 =	slt.u32 s8, $0xFFFFF086  }
0x1c: {  	p1 =	slt.u32 s9, $0xF7A;
	s5 =	simm.s32 @!p2 $0x0  }
0x1d: {  	s5 =	simm.s32 @p1 $0x1;
	p0 =	seq.s32 s7, s2  }
0x1e: {  	s7 =	smul.u32 @!p0 $0xF7A, s2;
	p2 =	seq.s32 @!p0 s5, $0x0  }
0x1f: {  	s9 =	smul.u32 $0xF7A, s1;
	s8 =	simm.s32 @!p0 $0x1BF5;
	p2 =	por !p2, p0  }
0x20: {  	[sflag:s8] =	ssyncset.s32 @!p0 $0xFFFFF086;
	s6 =	sadd.s32 @!p0 s3, s7;
	s7 =	simm.s32 @!p0 $0x108  }
0x21: {  	s3 =	sadd.s32 s3, s9;
	s6 =	sadd.s32 @!p0 $0x88, s6;
	s7 =	simm.s32 @p2 $0x1082  }
0x22: {  	[simem:s7], [sflag:s8] =	dma.local @!p0 [hbm:s6], $0xF7A  }
0x23: {  	s9 =	sor.u32 $0xD0000000, s2;
	s6 =	simm.s32 $0x108;
	_ =	swait.ge @!p0 [sflag:s8], $0x0  }
0x24: {  	s3 =	sadd.s32 $0x88, s3;
	s6 =	simm.s32 @!p1 $0x1082;
	[sflag:s4] =	ssyncset.s32 $0xFFFFF086  }
0x25: {  	[simem:s6], [sflag:s4] =	dma.local [hbm:s3], $0xF7A  }
0x26: {  	[smem:$0x3F9E] =	sst s1;
	(tag) =	ssettag s2;
	_ =	strace s9  }
0x27: {  	s1 =	sld [smem:$0x3FAE]  }
0x28: {  	s2 =	sld [smem:$0x3FAF]  }
0x29: {  	s4 =	sld [smem:$0x3FB1]  }
0x2a: {  	p0 =	seq.s32 s5, $0x0;
	s5 =	sld [smem:$0x3FB2]  }
0x2b: {  	s6 =	sld [smem:$0x3FB3]  }
0x2c: {  	s7 =	sld [smem:$0x3FB4]  }
0x2d: {  	s3 =	simm.s32 $0x108;
	s8 =	sld [smem:$0x3FB5]  }
0x2e: {  	s3 =	simm.s32 @!p0 $0x1082;
	s9 =	sld [smem:$0x3FB6]  }
0x2f: {  	lr =	sadd.s32 s0, s3;
	s0 =	sld [smem:$0x3FAD]  }
0x30: {  	s3 =	sld [smem:$0x3FB0]  }
0x31: {  	[smem:$0x3FB9] =	sst s10  }
0x32: {  	s10 =	sld [smem:$0x3FB7];
	_ =	sdelay $0x3  }
0x33: {  	p0 =	seq.s32 s10, $0x1;
	s10 =	sld [smem:$0x3FB9];
	_ =	sdelay $0x3  }
0x34: {  	[smem:$0x3FB9] =	sst s10  }
0x35: {  	s10 =	sld [smem:$0x3FB8];
	_ =	sdelay $0x3  }
0x36: {  	p1 =	seq.s32 s10, $0x1;
	s10 =	sld [smem:$0x3FB9];
	_ =	sdelay $0x3  }
0x37: {  	[smem:$0x3FB9] =	sst s10  }
0x38: {  	s10 =	sld [smem:$0x3FBA]  }
0x39: {  	_ = 	snop;
	(pc) =	sbr.ind lr, $3  }
0x3a: {  	_ = 	snop  }
0x3b: {  	_ = 	snop  }
0x3c: {  	p2 =	seq.s32 s10, $0x1;
	s10 =	sld [smem:$0x3FB9]  }
0x3d: {  	_ =	shalt  }
0x3e: {  	_ =	shalt  }
0x3f: {  	_ =	shalt  }
0x40: {  	_ =	shalt  }
0x41: {  	_ =	shalt  }
0x42: {  	_ =	shalt  }
0x43: {  	_ =	shalt  }
0x44: {  	_ =	shalt  }
0x45: {  	_ =	shalt  }
0x46: {  	_ =	shalt  }
0x47: {  	_ =	shalt  }
0x48: {  	_ =	shalt  }
0x49: {  	_ =	shalt  }
0x4a: {  	_ =	shalt  }
0x4b: {  	_ =	shalt  }
0x4c: {  	_ =	shalt  }
0x4d: {  	_ =	shalt  }
0x4e: {  	_ =	shalt  }
0x4f: {  	_ =	shalt  }
0x50: {  	_ =	shalt  }
0x51: {  	_ =	shalt  }
0x52: {  	_ =	shalt  }
0x53: {  	_ =	shalt  }
0x54: {  	_ =	shalt  }
0x55: {  	_ =	shalt  }
0x56: {  	_ =	shalt  }
0x57: {  	_ =	shalt  }
0x58: {  	_ =	shalt  }
0x59: {  	_ =	shalt  }
0x5a: {  	_ =	shalt  }
0x5b: {  	_ =	shalt  }
0x5c: {  	_ =	shalt  }
0x5d: {  	_ =	shalt  }
0x5e: {  	_ =	shalt  }
0x5f: {  	_ =	shalt  }
0x60: {  	_ =	shalt  }
0x61: {  	_ =	shalt  }
0x62: {  	_ =	shalt  }
0x63: {  	_ =	shalt  }
0x64: {  	_ =	shalt  }
0x65: {  	_ =	shalt  }
0x66: {  	_ =	shalt  }
0x67: {  	_ =	shalt  }
0x68: {  	_ =	shalt  }
0x69: {  	_ =	shalt  }
0x6a: {  	_ =	shalt  }
0x6b: {  	_ =	shalt  }
0x6c: {  	_ =	shalt  }
0x6d: {  	_ =	shalt  }
0x6e: {  	_ =	shalt  }
0x6f: {  	_ =	shalt  }
0x70: {  	_ =	shalt  }
0x71: {  	_ =	shalt  }
0x72: {  	_ =	shalt  }
0x73: {  	_ =	shalt  }
0x74: {  	_ =	shalt  }
0x75: {  	_ =	shalt  }
0x76: {  	_ =	shalt  }
0x77: {  	_ =	shalt  }
0x78: {  	_ =	shalt  }
0x79: {  	_ =	shalt  }
0x7a: {  	_ =	shalt  }
0x7b: {  	_ =	shalt  }
0x7c: {  	_ =	shalt  }
0x7d: {  	_ =	shalt  }
0x7e: {  	_ =	shalt  }
0x7f: {  	_ =	shalt  }
0x80: {  	_ =	shalt  }
0x81: {  	_ =	shalt  }
0x82: {  	_ =	shalt  }
0x83: {  	_ =	shalt  }
0x84: {  	_ =	shalt  }
0x85: {  	_ =	shalt  }
0x86: {  	_ =	shalt  }
0x87: {  	_ =	shalt  }
.Lfunc_end0:
.L_simem_size_0:
called_computation.1_lowered:
.L_overlay_start_0:
0x88: {  	s2 =	sld [smem:$0x3FD9]  }
0x89: {  	s3 =	sld [smem:$0x3FFE];
	_ =	sdelay $0x1  }
0x8a: {  	s1 =	srdreg.scid  }
0x8b: {  	s0 =	sand.u32 $0x1, s1  }
0x8c: {  	s17 =	sshll.u32 s0, $0xA;
	s2 =	sadd.s32 s3, s2  }
0x8d: {  	s2 =	sadd.s32 s2, s17  }
0x8e: {  	[smem:$0x3FC5] =	sst s2  }
0x8f: {  	_ = 	snop  }
0x90: {  	s2 =	sld [smem:$0x3FC8]  }
0x91: {  	s18 =	sld [smem:$0x3FD0];
	(tm) =	ssettm $0x1  }
0x92: {  	s4 =	sld [smem:$0x3FFB];
	_ =	sdelay $0x3  }
0x93: {  	_ =	strace s4  }
0x94: {  	s4 =	sld [smem:$0x3FFC];
	_ =	sdelay $0x3  }
0x95: {  	_ =	strace s4  }
0x96: {  	s4 =	sld [smem:$0x3FFD];
	_ =	sdelay $0x3  }
0x97: {  	_ =	strace s4  }
0x98: {  	_ =	strace $0x8FFFFFFF  }
0x99: {  	s19 =	sld [smem:$0x3FDB];
	_ =	sdelay $0x1  }
0x9a: {  	s5 =	simm.s32 $_scs_section_size  }
0x9b: {  	s6 =	simm.s32 $_size__tile_overlayer_lowered;
	s7 =	simm.s32 $_tile_overlayer_lowered  }
0x9c: {  	s22 =	simm.s32 $0x1BFF;
	s21 =	sshll.u32 s7, $0x1;
	s4 =	sadd.s32 s5, s19  }
0x9d: {  	s8 =	simm.s32 $0x0;
	s20 =	sshll.u32 s6, $0x1;
	s6 =	sadd.s32 s21, s4  }
0x9e: {  	[timem:s8], [sflag:s22] =	dma.local [hbm:s6], s20  }
0x9f: {  	_ =	swait.ge [sflag:s22], s20  }
0xa0: {  	s5 =	ssub.s32 $0x0, s20;
	[sflag:s22] =	ssyncset.done $0x0  }
0xa1: {  	[sflag:s22] =	ssyncadd.s32 s5;
	_ =	sdelay $0x1  }
0xa2: {  	s23 =	simm.s32 $0x1B8B  }
0xa3: {  	_ =	swait.ge [sflag:s23], $0x1  }
0xa4: {  	[sflag:s23] =	ssyncset.done $0x0  }
0xa5: {  	s25 =	simm.s32 $0x1B8E;
	s24 =	sld [smem:$0x3FFE];
	[sflag:s23] =	ssyncadd.s32 $0xFFFFFFFF  }
0xa6: {  	s26 =	simm.s32 $execute0_lowered;
	[smem:$0x3FD2] =	sst s25  }
0xa7: {  	s6 =	sshll.u32 s26, $0x1;
	_ =	strace $0x80000046;
	[dreg:$0x1] =	wrdreg $0xFFFFFFFF  }
0xa8: {  	s28 =	simm.s32 $_size_execute0_lowered;
	s4 =	sadd.s32 s4, s6;
	[dreg:$0x0] =	wrdreg $0x0  }
0xa9: {  	s6 =	sshll.u32 s28, $0x1;
	[dreg:$0x2] =	wrdreg s4  }
0xaa: {  	[dreg:$0x3] =	wrdreg s6  }
0xab: {  	[dreg:$0x4] =	wrdreg $0xC0  }
0xac: {  	_ =	task [dreg:s8], $0x5FFFF  }
0xad: {  	[dreg:$0x1] =	wrdreg $0xFFFFFFFF  }
0xae: {  	[dreg:$0x0] =	wrdreg $0x60  }
0xaf: {  	[dreg:$0x2] =	wrdreg s18  }
0xb0: {  	[dreg:$0x3] =	wrdreg s2  }
0xb1: {  	[dreg:$0x4] =	wrdreg s24  }
0xb2: {  	[dreg:$0x5] =	wrdreg $0x9  }
0xb3: {  	_ =	task.clear_ibuf [dreg:s8], $0x6FFFF;
	_ =	strace $0x90000046  }
0xb4: {  	s29 =	simm.s32 $0x9;
	_ =	strace $0x80000048  }
0xb5: {  	_ =	swait.ge [sflag:s29], $0x1  }
0xb6: {  	[sflag:s29] =	ssyncadd.s32 $0xFFFFFFFF  }
0xb7: {  	_ =	strace $0x90000048  }
0xb8: {  	_ =	sfence  }
0xb9: {  	s30 =	sld [smem:$0x0];
	_ =	sdelay $0x2  }
0xba: {  	s31 =	sshll.u32 s1, $0xD;
	s1 =	sshrl.u32 s1, $0x2  }
0xbb: {  	s3 =	sand.u32 $0x4000, s31;
	s1 =	sadd.s32 s1, s30  }
0xbc: {  	s0 =	sor.u32 s3, s0;
	s1 =	sshll.u32 s1, $0x11  }
0xbd: {  	s0 =	sor.u32 s1, s0  }
0xbe: {  	s0 =	sadd.s32 $0x8F2B, s0  }
0xbf: {  	[sflag:s0] =	ssyncadd.remote.s32 $0x1  }
0xc0: {  	_ =	sfence.sel $0xFFFF  }
0xc1: {  	[dreg:$0x0] =	wrdreg $0xFFFFFFFF;
	(pc) =	sbr.abs _section_cstart, $3  }
0xc2: {  	[dreg:$0x1] =	wrdreg $0xFFFFFFFF  }
0xc3: {  	_ =	task.clear_ibuf [dreg:s8], $0x2FFFF;
	_ =	strace $0x9FFFFFFF  }
0xc4: {  	(tm) =	ssettm $0x7FFFFFFF  }
0xc5: {  	_ =	shalt  }
tec
execute0_lowered:
.L_overlay_start_1:
0x0: {  	(tag) =	ssettag $0x1  }
0x1: {  	s2 =	rddreg [dreg:$0x1]  }
0x2: {  	s0 =	rddreg [dreg:$0x2]  }
0x3: {  	s1 =	simm.s32 $0x0;
	s24 =	srdreg.scid;
	s4 =	stileid.u32  }
0x4: {  	s12 =	simm.s32 $0x2;
	s13 =	simm.s32 $0xF080;
	s28 =	simm.s32 $0x16080  }
0x5: {  	s29 =	simm.s32 $0x16880;
	s30 =	simm.s32 $0x17080;
	s31 =	simm.s32 $0x17880  }
0x6: {  	s11 =	simm.s32 $0x19080;
	s5 =	simm.s32 $0x19880;
	s10 =	simm.s32 $0x1A080  }
0x7: {  	s14 =	simm.s32 $0x1B880;
	s15 =	simm.s32 $0x1C080;
	s16 =	simm.s32 $0x1C880  }
0x8: {  	s17 =	simm.s32 $0x1D080;
	s18 =	simm.s32 $0x1D880;
	s19 =	simm.s32 $0x1  }
0x9: {  	s21 =	simm.s32 $0x0;
	[smem:$0x7FF] =	sst s1;
	s3 =	sadd.s32 $0x800, s0  }
0xa: {  	s1 =	sand.u32 $0x1, s24;
	s6 =	sadd.s32 $0x2600, s0;
	s4 =	sshll.u32 s4, $0x8  }
0xb: {  	s8 =	sadd.s32 $0x100, s2;
	s9 =	sadd.s32 $0x200, s2;
	s25 =	ssub.s32 $0x2, s1  }
0xc: {  	_ =	strace $0x80000047;
	[dreg:$0x4] =	wrdreg s3;
	s26 =	sshrl.u32 s25, $0x1  }
0xd: {  	v2 =	vlaneseq.u32;
	s1 =	sshll.u32 s1, $0x7;
	s3 =	simm.s32 $0x1B080;
	s0 =	ssub.s32 s25, s26  }
0xe: {  	vm0 =	vmmov $0xffff;
	v1 =	vshrl.u32 v2, $0x3;
	s7 =	sor.u32 s1, s4;
	s4 =	simm.s32 $0x18880;
	s0 =	smax.u32 s0, $0x1  }
0xf: {  	v0 =	vand.u32 $0x7, v2;
	v2 =	vor.u32 $0x8, v2;
	v1 =	vmul.u32 $0x8, v1;
	s1 =	simm.s32 $0x1A880;
	[dreg:$0x5] =	wrdreg s0;
	s0 =	simm.s32 $0x18080  }
.LBB2_1:
0x10: {  	[dreg:$0x6] =	wrdreg s21  }
0x11: {  	s20 =	simm.s32 $0x0;
	s26 =	rddreg [dreg:$0x4];
	s22 =	simm.s32 $0x80  }
0x12: {  	[tilespmem:s22], [sflag:$0x2] =	stream.linear.gather [hbm4b:s26+s20], $0xF000, $0x38;
	[tilespmem:$0x1E080] =	vst v63  }
0x13: {  	_ =	swait.ge [sflag:s12], $0xF000  }
0x14: {  	[sflag:s12] =	ssyncset.done $0x0  }
0x15: {  	s20 =	simm.s32 $0x0;
	[sflag:s12] =	ssyncadd.s32 $0xFFFF1000  }
.LBB2_2:
0x16: {  	s21 =	sadd.s32 s7, s20;
	s22 =	sshll.u32 s20, $0x4  }
0x17: {  	s24 =	rddreg [dreg:$0x0];
	s23 =	sshll.u32 s21, $0x4;
	s22 =	sand.u32 $0x70, s22  }
0x18: {  	s23 =	sand.u32 $0xFF80, s23;
	s22 =	sadd.s32 s24, s22  }
0x19: {  	s23 =	sadd.s32 s23, s22;
	s22 =	simm.s32 $0x0  }
0x1a: {  	[tilespmem:s22], [sflag:$0x2] =	stream.linear.gather [hbm4b:s23+s22], $0x80, $0x38;
	[tilespmem:$0x1E080] =	vst v63  }
0x1b: {  	_ =	swait.ge [sflag:s12], $0x80  }
0x1c: {  	[sflag:s12] =	ssyncset.done $0x0  }
0x1d: {  	[sflag:s12] =	ssyncadd.s32 $0xFFFFFF80  }
0x1e: {  	v3 =	vld [tilespmem:$0x0];
	_ =	sdelay $0x4  }
0x1f: {  	v4 =	vshrl.u32 v3, $0x3  }
0x20: {  	v4 =	vmul.u32 $0x30, v4  }
0x21: {  	v3 =	vand.u32 $0x7, v3  }
0x22: {  	v3 =	vor.u32 v3, v4  }
0x23: {  	v4 =	vperm.xlane v3, v0;
	_ =	sdelay $0x1  }
0x24: {  	v4 =	vadd.s32 v1, v4;
	_ =	sdelay $0x3  }
0x25: {  	v3 =	vperm.xlane v3, v2  }
0x26: {  	[tilespmem:s13], [sflag:$0x1] =	stream.indirect_vreg.gather [hbm4b:s2+s22], $0x80, v4, vm0, $0xb8;
	[tilespmem:$0x1E080] =	vst v63  }
0x27: {  	s26 =	simm.s32 $0xF880;
	v3 =	vadd.s32 v1, v3  }
0x28: {  	[tilespmem:s26], [sflag:$0x1] =	stream.indirect_vreg.gather [hbm4b:s8+s22], $0x80, v4, vm0, $0xb8;
	[tilespmem:$0x1E080] =	vst v63  }
0x29: {  	s24 =	simm.s32 $0x10080  }
0x2a: {  	[tilespmem:s24], [sflag:$0x1] =	stream.indirect_vreg.gather [hbm4b:s9+s22], $0x80, v4, vm0, $0xb8;
	[tilespmem:$0x1E080] =	vst v63  }
0x2b: {  	s25 =	simm.s32 $0x10880  }
0x2c: {  	[tilespmem:s25], [sflag:$0x1] =	stream.indirect_vreg.gather [hbm4b:s2+s22], $0x80, v3, vm0, $0xb8;
	[tilespmem:$0x1E080] =	vst v63  }
0x2d: {  	s26 =	simm.s32 $0x11080  }
0x2e: {  	[tilespmem:s26], [sflag:$0x1] =	stream.indirect_vreg.gather [hbm4b:s8+s22], $0x80, v3, vm0, $0xb8;
	[tilespmem:$0x1E080] =	vst v63  }
0x2f: {  	s24 =	simm.s32 $0x11880  }
0x30: {  	[tilespmem:s24], [sflag:$0x1] =	stream.indirect_vreg.gather [hbm4b:s9+s22], $0x80, v3, vm0, $0xb8;
	[tilespmem:$0x1E080] =	vst v63  }
0x31: {  	v3 =	vld [tilespmem:$0x10];
	_ =	sdelay $0x4  }
0x32: {  	v60 =	vshrl.u32 v3, $0x3  }
0x33: {  	v4 =	vmul.u32 $0x30, v60  }
0x34: {  	v3 =	vand.u32 $0x7, v3  }
0x35: {  	v3 =	vor.u32 v3, v4  }
0x36: {  	v4 =	vperm.xlane v3, v0;
	_ =	sdelay $0x1  }
0x37: {  	v4 =	vadd.s32 v1, v4;
	_ =	sdelay $0x3  }
0x38: {  	s25 =	simm.s32 $0x12080;
	v3 =	vperm.xlane v3, v2  }
0x39: {  	[tilespmem:s25], [sflag:$0x1] =	stream.indirect_vreg.gather [hbm4b:s2+s22], $0x80, v4, vm0, $0xb8;
	[tilespmem:$0x1E080] =	vst v63  }
0x3a: {  	s26 =	simm.s32 $0x12880;
	v3 =	vadd.s32 v1, v3  }
0x3b: {  	[tilespmem:s26], [sflag:$0x1] =	stream.indirect_vreg.gather [hbm4b:s8+s22], $0x80, v4, vm0, $0xb8;
	[tilespmem:$0x1E080] =	vst v63  }
0x3c: {  	s24 =	simm.s32 $0x13080  }
0x3d: {  	[tilespmem:s24], [sflag:$0x1] =	stream.indirect_vreg.gather [hbm4b:s9+s22], $0x80, v4, vm0, $0xb8;
	[tilespmem:$0x1E080] =	vst v63  }
0x3e: {  	s25 =	simm.s32 $0x13880  }
0x3f: {  	[tilespmem:s25], [sflag:$0x1] =	stream.indirect_vreg.gather [hbm4b:s2+s22], $0x80, v3, vm0, $0xb8;
	[tilespmem:$0x1E080] =	vst v63  }
0x40: {  	s26 =	simm.s32 $0x14080  }
0x41: {  	[tilespmem:s26], [sflag:$0x1] =	stream.indirect_vreg.gather [hbm4b:s8+s22], $0x80, v3, vm0, $0xb8;
	[tilespmem:$0x1E080] =	vst v63  }
0x42: {  	s24 =	simm.s32 $0x14880  }
0x43: {  	[tilespmem:s24], [sflag:$0x1] =	stream.indirect_vreg.gather [hbm4b:s9+s22], $0x80, v3, vm0, $0xb8;
	[tilespmem:$0x1E080] =	vst v63  }
0x44: {  	v3 =	vld [tilespmem:$0x20];
	_ =	sdelay $0x4  }
0x45: {  	v61 =	vshrl.u32 v3, $0x3  }
0x46: {  	v4 =	vmul.u32 $0x30, v61  }
0x47: {  	v3 =	vand.u32 $0x7, v3  }
0x48: {  	v3 =	vor.u32 v3, v4  }
0x49: {  	v4 =	vperm.xlane v3, v0;
	_ =	sdelay $0x1  }
0x4a: {  	v4 =	vadd.s32 v1, v4;
	_ =	sdelay $0x3  }
0x4b: {  	s25 =	simm.s32 $0x15080;
	v3 =	vperm.xlane v3, v2  }
0x4c: {  	[tilespmem:s25], [sflag:$0x1] =	stream.indirect_vreg.gather [hbm4b:s2+s22], $0x80, v4, vm0, $0xb8;
	[tilespmem:$0x1E080] =	vst v63  }
0x4d: {  	s26 =	simm.s32 $0x15880;
	v3 =	vadd.s32 v1, v3  }
0x4e: {  	[tilespmem:s26], [sflag:$0x1] =	stream.indirect_vreg.gather [hbm4b:s8+s22], $0x80, v4, vm0, $0xb8;
	[tilespmem:$0x1E080] =	vst v63  }
0x4f: {  	_ = 	snop  }
0x50: {  	[tilespmem:s28], [sflag:$0x1] =	stream.indirect_vreg.gather [hbm4b:s9+s22], $0x80, v4, vm0, $0xb8;
	[tilespmem:$0x1E080] =	vst v63  }
0x51: {  	_ = 	snop  }
0x52: {  	[tilespmem:s29], [sflag:$0x1] =	stream.indirect_vreg.gather [hbm4b:s2+s22], $0x80, v3, vm0, $0xb8;
	[tilespmem:$0x1E080] =	vst v63  }
0x53: {  	_ = 	snop  }
0x54: {  	[tilespmem:s30], [sflag:$0x1] =	stream.indirect_vreg.gather [hbm4b:s8+s22], $0x80, v3, vm0, $0xb8;
	[tilespmem:$0x1E080] =	vst v63  }
0x55: {  	_ = 	snop  }
0x56: {  	[tilespmem:s31], [sflag:$0x1] =	stream.indirect_vreg.gather [hbm4b:s9+s22], $0x80, v3, vm0, $0xb8;
	[tilespmem:$0x1E080] =	vst v63  }
0x57: {  	v3 =	vld [tilespmem:$0x30];
	_ =	sdelay $0x4  }
0x58: {  	v62 =	vshrl.u32 v3, $0x3  }
0x59: {  	v4 =	vmul.u32 $0x30, v62  }
0x5a: {  	v3 =	vand.u32 $0x7, v3  }
0x5b: {  	v3 =	vor.u32 v3, v4  }
0x5c: {  	v4 =	vperm.xlane v3, v0;
	_ =	sdelay $0x1  }
0x5d: {  	v4 =	vadd.s32 v1, v4;
	_ =	sdelay $0x3  }
0x5e: {  	v3 =	vperm.xlane v3, v2  }
0x5f: {  	[tilespmem:s0], [sflag:$0x1] =	stream.indirect_vreg.gather [hbm4b:s2+s22], $0x80, v4, vm0, $0xb8;
	[tilespmem:$0x1E080] =	vst v63  }
0x60: {  	v3 =	vadd.s32 v1, v3  }
0x61: {  	[tilespmem:s4], [sflag:$0x1] =	stream.indirect_vreg.gather [hbm4b:s8+s22], $0x80, v4, vm0, $0xb8;
	[tilespmem:$0x1E080] =	vst v63  }
0x62: {  	_ = 	snop  }
0x63: {  	[tilespmem:s11], [sflag:$0x1] =	stream.indirect_vreg.gather [hbm4b:s9+s22], $0x80, v4, vm0, $0xb8;
	[tilespmem:$0x1E080] =	vst v63  }
0x64: {  	_ = 	snop  }
0x65: {  	[tilespmem:s5], [sflag:$0x1] =	stream.indirect_vreg.gather [hbm4b:s2+s22], $0x80, v3, vm0, $0xb8;
	[tilespmem:$0x1E080] =	vst v63  }
0x66: {  	_ = 	snop  }
0x67: {  	[tilespmem:s10], [sflag:$0x1] =	stream.indirect_vreg.gather [hbm4b:s8+s22], $0x80, v3, vm0, $0xb8;
	[tilespmem:$0x1E080] =	vst v63  }
0x68: {  	_ = 	snop  }
0x69: {  	[tilespmem:s1], [sflag:$0x1] =	stream.indirect_vreg.gather [hbm4b:s9+s22], $0x80, v3, vm0, $0xb8;
	[tilespmem:$0x1E080] =	vst v63  }
0x6a: {  	v3 =	vld [tilespmem:$0x40];
	_ =	sdelay $0x4  }
0x6b: {  	v63 =	vshrl.u32 v3, $0x3  }
0x6c: {  	v4 =	vmul.u32 $0x30, v63  }
0x6d: {  	v3 =	vand.u32 $0x7, v3  }
0x6e: {  	v3 =	vor.u32 v3, v4  }
0x6f: {  	v4 =	vperm.xlane v3, v0;
	_ =	sdelay $0x1  }
0x70: {  	v4 =	vadd.s32 v1, v4;
	_ =	sdelay $0x3  }
0x71: {  	v3 =	vperm.xlane v3, v2  }
0x72: {  	[tilespmem:s3], [sflag:$0x1] =	stream.indirect_vreg.gather [hbm4b:s2+s22], $0x80, v4, vm0, $0xb8;
	[tilespmem:$0x1E080] =	vst v63  }
0x73: {  	v3 =	vadd.s32 v1, v3  }
0x74: {  	[tilespmem:s14], [sflag:$0x1] =	stream.indirect_vreg.gather [hbm4b:s8+s22], $0x80, v4, vm0, $0xb8;
	[tilespmem:$0x1E080] =	vst v63  }
0x75: {  	_ = 	snop  }
0x76: {  	[tilespmem:s15], [sflag:$0x1] =	stream.indirect_vreg.gather [hbm4b:s9+s22], $0x80, v4, vm0, $0xb8;
	[tilespmem:$0x1E080] =	vst v63  }
0x77: {  	_ = 	snop  }
0x78: {  	[tilespmem:s16], [sflag:$0x1] =	stream.indirect_vreg.gather [hbm4b:s2+s22], $0x80, v3, vm0, $0xb8;
	[tilespmem:$0x1E080] =	vst v63  }
0x79: {  	_ = 	snop  }
0x7a: {  	[tilespmem:s17], [sflag:$0x1] =	stream.indirect_vreg.gather [hbm4b:s8+s22], $0x80, v3, vm0, $0xb8;
	[tilespmem:$0x1E080] =	vst v63  }
0x7b: {  	_ = 	snop  }
0x7c: {  	[tilespmem:s18], [sflag:$0x1] =	stream.indirect_vreg.gather [hbm4b:s9+s22], $0x80, v3, vm0, $0xb8;
	[tilespmem:$0x1E080] =	vst v63  }
0x7d: {  	_ =	swait.ge [sflag:s19], $0xF000  }
0x7e: {  	[sflag:s19] =	ssyncset.done $0x0  }
0x7f: {  	s23 =	simm.s32 $0x0;
	[sflag:s19] =	ssyncadd.s32 $0xFFFF1000  }
.LBB2_3:
0x80: {  	s24 =	sshrl.u32 s23, $0x3  }
0x81: {  	s24 =	smul.u32 $0x1800, s24  }
0x82: {  	s25 =	sand.u32 $0x380, s22  }
0x83: {  	s24 =	sor.u32 s25, s24  }
0x84: {  	v3 =	vld [tilespmem:s24+$0xF080]  }
0x85: {  	v4 =	vld [tilespmem:s24+$0xF090]  }
0x86: {  	v5 =	vld [tilespmem:s24+$0xF0A0]  }
0x87: {  	v6 =	vld [tilespmem:s24+$0xF0B0]  }
0x88: {  	v7 =	vld [tilespmem:s24+$0xF0C0]  }
0x89: {  	v8 =	vld [tilespmem:s24+$0xF0D0]  }
0x8a: {  	v9 =	vld [tilespmem:s24+$0xF0E0]  }
0x8b: {  	v10 =	vld [tilespmem:s24+$0xF0F0]  }
0x8c: {  	v11 =	vld [tilespmem:s24+$0xF480]  }
0x8d: {  	v12 =	vld [tilespmem:s24+$0xF490]  }
0x8e: {  	v13 =	vld [tilespmem:s24+$0xF4A0]  }
0x8f: {  	v14 =	vld [tilespmem:s24+$0xF4B0]  }
0x90: {  	v15 =	vld [tilespmem:s24+$0xF4C0]  }
0x91: {  	v16 =	vld [tilespmem:s24+$0xF4D0]  }
0x92: {  	v17 =	vld [tilespmem:s24+$0xF4E0]  }
0x93: {  	v18 =	vld [tilespmem:s24+$0xF4F0]  }
0x94: {  	v19 =	vld [tilespmem:s24+$0x80]  }
0x95: {  	v20 =	vld [tilespmem:s24+$0x90]  }
0x96: {  	v21 =	vld [tilespmem:s24+$0xA0]  }
0x97: {  	v22 =	vld [tilespmem:s24+$0xB0]  }
0x98: {  	v23 =	vld [tilespmem:s24+$0xC0]  }
0x99: {  	v24 =	vld [tilespmem:s24+$0xD0]  }
0x9a: {  	v25 =	vld [tilespmem:s24+$0xE0]  }
0x9b: {  	v26 =	vld [tilespmem:s24+$0xF0]  }
0x9c: {  	v27 =	vld [tilespmem:s24+$0x480]  }
0x9d: {  	v28 =	vld [tilespmem:s24+$0x490]  }
0x9e: {  	v29 =	vld [tilespmem:s24+$0x4A0]  }
0x9f: {  	v30 =	vld [tilespmem:s24+$0x4B0]  }
0xa0: {  	v31 =	vld [tilespmem:s24+$0x4C0]  }
0xa1: {  	v32 =	vld [tilespmem:s24+$0x4D0]  }
0xa2: {  	v33 =	vld [tilespmem:s24+$0x4E0]  }
0xa3: {  	v34 =	vld [tilespmem:s24+$0x4F0]  }
0xa4: {  	v35 =	vld [tilespmem:s24+$0xF880]  }
0xa5: {  	v36 =	vld [tilespmem:s24+$0xF890]  }
0xa6: {  	v37 =	vld [tilespmem:s24+$0xF8A0]  }
0xa7: {  	v38 =	vld [tilespmem:s24+$0xF8B0]  }
0xa8: {  	v39 =	vld [tilespmem:s24+$0xF8C0]  }
0xa9: {  	v52 =	vld [tilespmem:s24+$0xF8D0]  }
0xaa: {  	v53 =	vld [tilespmem:s24+$0xF8E0]  }
0xab: {  	v54 =	vld [tilespmem:s24+$0xF8F0]  }
0xac: {  	v56 =	vld [tilespmem:s24+$0xFC80]  }
0xad: {  	v57 =	vld [tilespmem:s24+$0xFC90]  }
0xae: {  	v59 =	vld [tilespmem:s24+$0xFCA0]  }
0xaf: {  	v60 =	vld [tilespmem:s24+$0xFCB0]  }
0xb0: {  	v62 =	vld [tilespmem:s24+$0xFCC0]  }
0xb1: {  	v63 =	vld [tilespmem:s24+$0xFCD0]  }
0xb2: {  	v40 =	vld [tilespmem:s24+$0x8F0]  }
0xb3: {  	v42 =	vld [tilespmem:s24+$0xC80]  }
0xb4: {  	v44 =	vld [tilespmem:s24+$0xC90];
	v3 =	vadd.f32 v19, v3  }
0xb5: {  	v46 =	vld [tilespmem:s24+$0xCA0];
	v4 =	vadd.f32 v20, v4  }
0xb6: {  	v47 =	vld [tilespmem:s24+$0xCB0];
	v55 =	vadd.f32 v22, v6;
	[tilespmem:s24+$0xF080] =	vst v3  }
0xb7: {  	v51 =	vld [tilespmem:s24+$0xCF0];
	v58 =	vadd.f32 v24, v8;
	[tilespmem:s24+$0xF090] =	vst v4  }
0xb8: {  	v61 =	vadd.f32 v26, v10;
	v26 =	vld [tilespmem:s24+$0xFCF0];
	v3 =	vadd.f32 v21, v5;
	[tilespmem:s24+$0xF0B0] =	vst v55  }
0xb9: {  	v48 =	vld [tilespmem:s24+$0xCD0];
	[tilespmem:s24+$0xF0D0] =	vst v58  }
0xba: {  	v49 =	vld [tilespmem:s24+$0xCE0];
	[tilespmem:s24+$0xF0A0] =	vst v3;
	v3 =	vadd.f32 v23, v7  }
0xbb: {  	v24 =	vadd.f32 v28, v12;
	v28 =	vld [tilespmem:s24+$0x880];
	v50 =	vadd.f32 v42, v56;
	[tilespmem:s24+$0xF0F0] =	vst v61  }
0xbc: {  	v42 =	vld [tilespmem:s24+$0x10A0];
	[tilespmem:s24+$0xF0C0] =	vst v3;
	v3 =	vadd.f32 v25, v9  }
0xbd: {  	[tilespmem:s24+$0xFC80] =	vst v50;
	v50 =	vld [tilespmem:s24+$0x14A0];
	v55 =	vadd.f32 v51, v26  }
0xbe: {  	v51 =	vld [tilespmem:s24+$0x14B0];
	[tilespmem:s24+$0xF0E0] =	vst v3;
	v3 =	vadd.f32 v27, v11  }
0xbf: {  	v25 =	vld [tilespmem:s24+$0xFCE0];
	[tilespmem:s24+$0xFCF0] =	vst v55  }
0xc0: {  	v55 =	vld [tilespmem:s24+$0x14F0];
	[tilespmem:s24+$0xF480] =	vst v3;
	v3 =	vadd.f32 v29, v13  }
0xc1: {  	[tilespmem:s24+$0xF490] =	vst v24;
	v27 =	vadd.f32 v30, v14;
	v30 =	vadd.f32 v32, v16;
	v32 =	vld [tilespmem:s24+$0x8B0]  }
0xc2: {  	v14 =	vadd.f32 v28, v35;
	v35 =	vld [tilespmem:s24+$0x8E0];
	[tilespmem:s24+$0xF4A0] =	vst v3;
	v3 =	vadd.f32 v31, v15  }
0xc3: {  	[tilespmem:s24+$0xF4B0] =	vst v27;
	v31 =	vld [tilespmem:s24+$0x8A0]  }
0xc4: {  	v29 =	vld [tilespmem:s24+$0x890];
	[tilespmem:s24+$0xF4C0] =	vst v3;
	v3 =	vadd.f32 v33, v17  }
0xc5: {  	[tilespmem:s24+$0xF4D0] =	vst v30;
	v33 =	vadd.f32 v34, v18;
	v34 =	vld [tilespmem:s24+$0x8C0]  }
0xc6: {  	v43 =	vadd.f32 v32, v38;
	[tilespmem:s24+$0xF4E0] =	vst v3;
	v3 =	vld [tilespmem:s24+$0x8D0]  }
0xc7: {  	[tilespmem:s24+$0xF880] =	vst v14;
	v4 =	vadd.f32 v35, v53;
	v53 =	vadd.f32 v46, v59;
	v46 =	vld [tilespmem:s24+$0x10E0]  }
0xc8: {  	[tilespmem:s24+$0xF8B0] =	vst v43;
	v43 =	vld [tilespmem:s24+$0x10B0];
	v41 =	vadd.f32 v31, v37  }
0xc9: {  	[tilespmem:s24+$0xFCA0] =	vst v53;
	v53 =	vld [tilespmem:s24+$0x14D0]  }
0xca: {  	[tilespmem:s24+$0xF8A0] =	vst v41;
	v45 =	vadd.f32 v34, v39;
	v41 =	vld [tilespmem:s24+$0x1090]  }
0xcb: {  	[tilespmem:s24+$0xF4F0] =	vst v33;
	v3 =	vadd.f32 v3, v52;
	v52 =	vld [tilespmem:s24+$0xCC0]  }
0xcc: {  	v15 =	vadd.f32 v29, v36;
	[tilespmem:s24+$0xF8C0] =	vst v45;
	v45 =	vld [tilespmem:s24+$0x10D0]  }
0xcd: {  	[tilespmem:s24+$0xF8D0] =	vst v3;
	v3 =	vadd.f32 v40, v54;
	v40 =	vld [tilespmem:s24+$0x1080]  }
0xce: {  	[tilespmem:s24+$0xF890] =	vst v15;
	v54 =	vadd.f32 v48, v63;
	v48 =	vld [tilespmem:s24+$0x1480]  }
0xcf: {  	[tilespmem:s24+$0xF8F0] =	vst v3;
	v3 =	vadd.f32 v44, v57;
	v44 =	vld [tilespmem:s24+$0x10C0]  }
0xd0: {  	[tilespmem:s24+$0xFCD0] =	vst v54;
	v54 =	vld [tilespmem:s24+$0x14E0];
	v56 =	vadd.f32 v52, v62  }
0xd1: {  	v52 =	vld [tilespmem:s24+$0x14C0];
	[tilespmem:s24+$0xFC90] =	vst v3;
	v3 =	vadd.f32 v47, v60  }
0xd2: {  	v47 =	vld [tilespmem:s24+$0x10F0];
	[tilespmem:s24+$0xFCC0] =	vst v56  }
0xd3: {  	s25 =	sadd.s32 $0x1000, s24;
	[tilespmem:s24+$0xFCB0] =	vst v3;
	v3 =	vadd.f32 v49, v25;
	v49 =	vld [tilespmem:s24+$0x1490]  }
0xd4: {  	s26 =	sadd.s32 $0x1400, s24;
	[tilespmem:s24+$0xF8E0] =	vst v4;
	v5 =	vld [tilespmem:s25+$0xF0A0]  }
0xd5: {  	v63 =	vld [tilespmem:s26+$0xF0A0];
	[tilespmem:s24+$0xFCE0] =	vst v3  }
0xd6: {  	v3 =	vld [tilespmem:s25+$0xF080]  }
0xd7: {  	v4 =	vld [tilespmem:s25+$0xF090]  }
0xd8: {  	v57 =	vld [tilespmem:s25+$0xF0B0]  }
0xd9: {  	v7 =	vld [tilespmem:s25+$0xF0C0]  }
0xda: {  	v58 =	vld [tilespmem:s25+$0xF0D0]  }
0xdb: {  	v59 =	vld [tilespmem:s25+$0xF0E0]  }
0xdc: {  	v60 =	vld [tilespmem:s25+$0xF0F0]  }
0xdd: {  	v61 =	vld [tilespmem:s26+$0xF080]  }
0xde: {  	v62 =	vld [tilespmem:s26+$0xF090]  }
0xdf: {  	v36 =	vld [tilespmem:s26+$0xF0B0]  }
0xe0: {  	v37 =	vld [tilespmem:s26+$0xF0D0];
	v3 =	vadd.f32 v40, v3  }
0xe1: {  	v38 =	vld [tilespmem:s26+$0xF0E0];
	v4 =	vadd.f32 v41, v4  }
0xe2: {  	v39 =	vld [tilespmem:s26+$0xF0F0];
	[tilespmem:s25+$0xF080] =	vst v3;
	v3 =	vadd.f32 v42, v5  }
0xe3: {  	v56 =	vld [tilespmem:s26+$0xF0C0];
	v57 =	vadd.f32 v43, v57;
	[tilespmem:s25+$0xF090] =	vst v4  }
0xe4: {  	[tilespmem:s25+$0xF0A0] =	vst v3;
	v3 =	vadd.f32 v44, v7  }
0xe5: {  	v58 =	vadd.f32 v45, v58;
	[tilespmem:s25+$0xF0B0] =	vst v57  }
0xe6: {  	[tilespmem:s25+$0xF0C0] =	vst v3;
	v3 =	vadd.f32 v46, v59  }
0xe7: {  	[tilespmem:s25+$0xF0D0] =	vst v58;
	v59 =	vadd.f32 v47, v60  }
0xe8: {  	v60 =	vadd.f32 v49, v62;
	[tilespmem:s25+$0xF0E0] =	vst v3  }
0xe9: {  	v3 =	vadd.f32 v48, v61;
	[tilespmem:s25+$0xF0F0] =	vst v59  }
0xea: {  	v62 =	vadd.f32 v53, v37;
	[tilespmem:s26+$0xF090] =	vst v60  }
0xeb: {  	[tilespmem:s26+$0xF080] =	vst v3;
	v3 =	vadd.f32 v50, v63  }
0xec: {  	p0 =	sne.s32 s23, $0x4F;
	v61 =	vadd.f32 v51, v36;
	[tilespmem:s26+$0xF0D0] =	vst v62  }
.Ltmp0:
0xed: {  	[tilespmem:s26+$0xF0A0] =	vst v3;
	v3 =	vadd.f32 v52, v56;
	(pc) =	sbr.rel @p0 .LBB2_3-.Ltmp0, $4  }
0xee: {  	[tilespmem:s26+$0xF0B0] =	vst v61;
	v63 =	vadd.f32 v55, v39  }
0xef: {  	[tilespmem:s26+$0xF0C0] =	vst v3;
	v3 =	vadd.f32 v54, v38  }
0xf0: {  	[tilespmem:s26+$0xF0F0] =	vst v63  }
0xf1: {  	s22 =	sadd.s32 $0x80, s22;
	s23 =	sadd.s32 $0x1, s23;
	[tilespmem:s26+$0xF0E0] =	vst v3  }
0xf2: {  	s21 =	smul.u32 $0x1E00, s21;
	s20 =	sadd.s32 $0x1, s20  }
0xf3: {  	p0 =	sne.s32 s20, $0x80  }
.Ltmp1:
0xf4: {  	s22 =	simm.s32 $0x0;
	s21 =	sadd.s32 s6, s21;
	(pc) =	sbr.rel @p0 .LBB2_2-.Ltmp1, $4  }
0xf5: {  	[hbm4b:s21+s22] =	stream.linear.scatter [tilespmem:s13], [sflag:$0x2], $0xF000, $0x38;
	[tilespmem:$0x1E080] =	vst v63  }
0xf6: {  	_ =	swait.ge [sflag:s12], $0xF000  }
0xf7: {  	[sflag:s12] =	ssyncset.done $0x0  }
0xf8: {  	[sflag:s12] =	ssyncadd.s32 $0xFFFF1000  }
0xf9: {  	s21 =	rddreg [dreg:$0x6]  }
0xfa: {  	s20 =	rddreg [dreg:$0x5];
	s21 =	sadd.s32 $0x1, s21  }
0xfb: {  	p0 =	sne.s32 s21, s20  }
.Ltmp2:
0xfc: {  	_ = 	snop;
	(pc) =	sbr.rel @p0 .LBB2_1-.Ltmp2, $1  }
0xfd: {  	_ =	sdelay $0x3  }
0xfe: {  	_ =	sfence.sel $0x180000  }
0xff: {  	[bflag:$0x0] =	sbarrier.arrive $0xFFFF  }
0x100: {  	_ =	strace $0x90000047  }
0x101: {  	s0 =	stileid.u32;
	[bflag:$0x2] =	sbarrier.arrive $0xFFFF  }
0x102: {  	p0 =	sne.s32 s0, $0x0;
	s0 =	rddreg [dreg:$0x3]  }
0x103: {  	s0 =	sadd.s32 @!p0 $0x100000, s0  }
0x104: {  	[sflag:s0] =	ssyncadd.tile.s32 @!p0 $0x1;
	_ =	shalt  }
.Lfunc_end2:
_tile_overlayer_lowered:
.L_overlay_start_2:
0x105: {  	(tag) =	ssettag $0x2  }
0x106: {  	s0 =	rddreg [dreg:$0x0];
	s2 =	stileid.u32  }
0x107: {  	s1 =	rddreg [dreg:$0x1];
	p0 =	sne.s32 s2, $0x0  }
0x108: {  	s3 =	rddreg [dreg:$0x2];
	[bflag:$0x3] =	sbarrier.arrive $0xFFFF;
	s2 =	simm.s32 @!p0 $0x1C02  }
0x109: {  	[timem:s3], [sflag:s2] =	dma.local @!p0 [hbm:s0], s1  }
0x10a: {  	s0 =	simm.s32 @!p0 $0x2  }
0x10b: {  	_ =	swait.ge @!p0 [sflag:s0], s1  }
0x10c: {  	s1 =	ssub.s32 @!p0 $0x0, s1;
	[sflag:s0] =	ssyncset.done @!p0 $0x0  }
0x10d: {  	[sflag:s0] =	ssyncadd.s32 @!p0 s1  }
0x10e: {  	[bflag:$0x3] =	sbarrier.arrive $0xFFFF  }
0x10f: {  	_ =	shalt  }

// kernel: sparse-core-data-format-call.cloned.1.call-start
scs
called_computation_lowered:
.L_overlay_start_0:
0x0: {  	s2 =	sld [smem:$0x3FD9]  }
0x1: {  	s3 =	sld [smem:$0x3FFE];
	_ =	sdelay $0x1  }
0x2: {  	s1 =	srdreg.scid  }
0x3: {  	s0 =	sand.u32 $0x1, s1  }
0x4: {  	s18 =	sshll.u32 s0, $0xA;
	s2 =	sadd.s32 s3, s2  }
0x5: {  	s2 =	sadd.s32 s2, s18  }
0x6: {  	[smem:$0x3FC5] =	sst s2  }
0x7: {  	_ = 	snop  }
0x8: {  	s2 =	sld [smem:$0x3FD0];
	(tm) =	ssettm $0x1  }
0x9: {  	s19 =	sld [smem:$0x3FFB];
	_ =	sdelay $0x3  }
0xa: {  	_ =	strace s19  }
0xb: {  	s3 =	sld [smem:$0x3FFC];
	_ =	sdelay $0x3  }
0xc: {  	_ =	strace s3  }
0xd: {  	s3 =	sld [smem:$0x3FFD];
	_ =	sdelay $0x3  }
0xe: {  	_ =	strace s3  }
0xf: {  	_ =	strace $0x8FFFFFFF  }
0x10: {  	s20 =	sld [smem:$0x3FDB];
	_ =	sdelay $0x1  }
0x11: {  	s4 =	simm.s32 $_scs_section_size  }
0x12: {  	s5 =	simm.s32 $_size__tile_overlayer_lowered;
	s6 =	simm.s32 $_tile_overlayer_lowered  }
0x13: {  	s23 =	simm.s32 $0x1BFF;
	s22 =	sshll.u32 s6, $0x1;
	s3 =	sadd.s32 s4, s20  }
0x14: {  	s7 =	simm.s32 $0x0;
	s21 =	sshll.u32 s5, $0x1;
	s5 =	sadd.s32 s22, s3  }
0x15: {  	[timem:s7], [sflag:s23] =	dma.local [hbm:s5], s21  }
0x16: {  	_ =	swait.ge [sflag:s23], s21  }
0x17: {  	s4 =	ssub.s32 $0x0, s21;
	[sflag:s23] =	ssyncset.done $0x0  }
0x18: {  	[sflag:s23] =	ssyncadd.s32 s4;
	_ =	sdelay $0x1  }
0x19: {  	s24 =	simm.s32 $0x1B8B  }
0x1a: {  	_ =	swait.ge [sflag:s24], $0x1  }
0x1b: {  	[sflag:s24] =	ssyncset.done $0x0  }
0x1c: {  	s26 =	simm.s32 $0x1B8E;
	s25 =	sld [smem:$0x3FFE];
	[sflag:s24] =	ssyncadd.s32 $0xFFFFFFFF  }
0x1d: {  	s27 =	simm.s32 $execute0_lowered;
	[smem:$0x3FD2] =	sst s26  }
0x1e: {  	s5 =	sshll.u32 s27, $0x1;
	_ =	strace $0x80000049;
	[dreg:$0x1] =	wrdreg $0xFFFFFFFF  }
0x1f: {  	s28 =	simm.s32 $_size_execute0_lowered;
	s3 =	sadd.s32 s3, s5;
	[dreg:$0x0] =	wrdreg $0x0  }
0x20: {  	s5 =	sshll.u32 s28, $0x1;
	[dreg:$0x2] =	wrdreg s3  }
0x21: {  	[dreg:$0x3] =	wrdreg s5  }
0x22: {  	[dreg:$0x4] =	wrdreg $0xC0  }
0x23: {  	_ =	task [dreg:s7], $0x5FFFF  }
0x24: {  	[dreg:$0x1] =	wrdreg $0xFFFFFFFF  }
0x25: {  	[dreg:$0x0] =	wrdreg $0x60  }
0x26: {  	[dreg:$0x2] =	wrdreg s25  }
0x27: {  	[dreg:$0x3] =	wrdreg s2  }
0x28: {  	[dreg:$0x4] =	wrdreg $0x9  }
0x29: {  	_ =	task.clear_ibuf [dreg:s7], $0x5FFFF;
	_ =	strace $0x90000049  }
0x2a: {  	s29 =	simm.s32 $0x9;
	_ =	strace $0x8000004B  }
0x2b: {  	_ =	swait.ge [sflag:s29], $0x1  }
0x2c: {  	[sflag:s29] =	ssyncadd.s32 $0xFFFFFFFF  }
0x2d: {  	_ =	strace $0x9000004B  }
0x2e: {  	_ =	sfence  }
0x2f: {  	s30 =	sld [smem:$0x0];
	_ =	sdelay $0x2  }
0x30: {  	s31 =	sshll.u32 s1, $0xD;
	s1 =	sshrl.u32 s1, $0x2  }
0x31: {  	s3 =	sand.u32 $0x4000, s31;
	s1 =	sadd.s32 s1, s30  }
0x32: {  	s0 =	sor.u32 s3, s0;
	s1 =	sshll.u32 s1, $0x11  }
0x33: {  	s0 =	sor.u32 s1, s0  }
0x34: {  	s0 =	sadd.s32 $0x8F2B, s0  }
0x35: {  	[sflag:s0] =	ssyncadd.remote.s32 $0x1  }
0x36: {  	_ =	sfence.sel $0xFFFF  }
0x37: {  	[dreg:$0x0] =	wrdreg $0xFFFFFFFF;
	(pc) =	sbr.abs _section_cstart, $3  }
0x38: {  	[dreg:$0x1] =	wrdreg $0xFFFFFFFF  }
0x39: {  	_ =	task.clear_ibuf [dreg:s7], $0x2FFFF;
	_ =	strace $0x9FFFFFFF  }
0x3a: {  	(tm) =	ssettm $0x7FFFFFFF  }
0x3b: {  	_ =	shalt  }
tec
execute0_lowered:
.L_overlay_start_1:
0x0: {  	(tag) =	ssettag $0x1  }
0x1: {  	s0 =	srdreg.scid  }
0x2: {  	s1 =	sshll.u32 s0, $0x4  }
0x3: {  	s6 =	rddreg [dreg:$0x0];
	s0 =	stileid.u32;
	s1 =	sand.u32 $0x10, s1  }
0x4: {  	s3 =	rddreg [dreg:$0x1];
	s1 =	sor.u32 s0, s1  }
0x5: {  	s5 =	simm.s32 $0x1;
	s31 =	simm.s32 $0x2;
	s2 =	sshll.u32 s1, $0x7  }
0x6: {  	s15 =	simm.s32 $0x0;
	s8 =	simm.s32 $0x1800;
	s4 =	ssub.s32 $0x1000, s2  }
0x7: {  	s9 =	simm.s32 $0x0;
	s14 =	simm.s32 $0x0;
	s30 =	sand.u32 $0xF80, s4  }
0x8: {  	s16 =	simm.s32 $0x0;
	s10 =	simm.s32 $0x0;
	p0 =	sne.s32 s30, $0x0  }
.Ltmp0:
0x9: {  	s7 =	sshrl.u32 s4, $0xC;
	s5 =	simm.s32 @!p0 $0x0;
	(pc) =	sbr.rel .LBB1_1-.Ltmp0, $4  }
0xa: {  	s11 =	simm.s32 $0x0;
	s1 =	rddreg [dreg:$0x2];
	s5 =	sadd.s32 s5, s7  }
0xb: {  	_ =	strace $0x8000004A;
	s4 =	simm.s32 $0x1;
	s5 =	smul.u32 $0x1CE, s5  }
0xc: {  	s13 =	simm.s32 $0x0;
	s6 =	sadd.s32 $0x2600, s6;
	[sflag:s4] =	ssyncpa.u1 $0x0  }
0xd: {  	s12 =	smov.u32 s2;
	[sflag:s31] =	ssyncpa.u1 $0x0;
	s7 =	sor.u32 $0x1, s5  }
.LBB1_4:
0xe: {  	_ =	sdelay $0x2  }
0xf: {  	s20 =	sshrl.u32 s16, $0x3  }
0x10: {  	[tilespmem:v0+s19+$0xFFFFFFD0 ss:$0x1] =	vst.idx.msk $0xffff, v7;
	s21 =	sshll.u32 s15, $0x3;
	s20 =	smul.u32 $0x1800, s20  }
0x11: {  	v56 =	vld.idx.msk [tilespmem:v1+s18+$0x0 ss:$0x1], $0xffff;
	[tilespmem:v0+s19+$0xFFFFFFE0 ss:$0x1] =	vst.idx.msk $0xffff, v5;
	s27 =	sshll.u32 s16, $0x7;
	s21 =	sand.u32 $0xFFFFFC00, s21  }
0x12: {  	v57 =	vld.idx.msk [tilespmem:v1+s18+$0xFFFFFF90 ss:$0x1], $0xffff;
	[tilespmem:v0+s19+$0xFFFFFFF0 ss:$0x1] =	vst.idx.msk $0xffff, v4;
	s16 =	sand.u32 $0x380, s27;
	s20 =	sadd.s32 s20, s21  }
0x13: {  	v58 =	vld.idx.msk [tilespmem:v1+s18+$0xFFFFFFA0 ss:$0x1], $0xffff;
	[tilespmem:v0+s19+$0x0 ss:$0x1] =	vst.idx.msk $0xffff, v2;
	s28 =	sand.u32 $0x7F, s15;
	s16 =	sor.u32 s16, s20  }
0x14: {  	v59 =	vld.idx.msk [tilespmem:v1+s18+$0xFFFFFFB0 ss:$0x1], $0xffff;
	[tilespmem:v0+s19+$0x10 ss:$0x1] =	vst.idx.msk $0xffff, v3;
	s15 =	sor.u32 s28, s16  }
0x15: {  	v60 =	vld.idx.msk [tilespmem:v1+s18+$0xFFFFFFC0 ss:$0x1], $0xffff;
	[tilespmem:v0+s19+$0x20 ss:$0x1] =	vst.idx.msk $0xffff, v6;
	s29 =	smulhi.u32 $0xAAAAAAAB, s15  }
0x16: {  	v61 =	vld.idx.msk [tilespmem:v1+s18+$0xFFFFFFD0 ss:$0x1], $0xffff;
	[tilespmem:v0+s18+$0x30 ss:$0x1] =	vst.idx.msk $0xffff, v56;
	s16 =	smulhi.u32 $0xAAAAAAAB, s16  }
0x17: {  	v62 =	vld.idx.msk [tilespmem:v1+s18+$0xFFFFFFE0 ss:$0x1], $0xffff;
	[tilespmem:v0+s18+$0xFFFFFFC0 ss:$0x1] =	vst.idx.msk $0xffff, v57;
	s19 =	sshrl.u32 s29, $0x9  }
0x18: {  	v63 =	vld.idx.msk [tilespmem:v1+s18+$0xFFFFFFF0 ss:$0x1], $0xffff;
	[tilespmem:v0+s18+$0xFFFFFFD0 ss:$0x1] =	vst.idx.msk $0xffff, v58;
	s16 =	sshrl.u32 s16, $0x9;
	s19 =	smul.u32 $0x300, s19  }
0x19: {  	s14 =	smul.u32 $0x60000, s14;
	[tilespmem:v0+s18+$0xFFFFFFE0 ss:$0x1] =	vst.idx.msk $0xffff, v59;
	s16 =	sand.u32 $0xFFF, s16  }
0x1a: {  	[tilespmem:v0+s18+$0xFFFFFFF0 ss:$0x1] =	vst.idx.msk $0xffff, v60;
	s16 =	smul.u32 $0x60, s16;
	s15 =	ssub.s32 s15, s19  }
0x1b: {  	s14 =	sadd.s32 s3, s14;
	[tilespmem:v0+s18+$0x0 ss:$0x1] =	vst.idx.msk $0xffff, v61;
	s19 =	sand.u32 $0x7, s15  }
0x1c: {  	[tilespmem:v0+s18+$0x10 ss:$0x1] =	vst.idx.msk $0xffff, v62;
	s14 =	sadd.s32 s16, s14;
	s15 =	sshrl.u32 s15, $0x3;
	s30 =	sshll.u32 s19, $0x12  }
0x1d: {  	[tilespmem:v0+s18+$0x20 ss:$0x1] =	vst.idx.msk $0xffff, v63;
	s14 =	sadd.s32 s15, s14;
	s31 =	sor.u32 $0x400, s30  }
0x1e: {  	[hbm4b:s14+s31] =	stream.strided.scatter [tilespmem:s17], [sflag:$0x2], $0x4000, s8, s31, $0x38;
	[tilespmem:$0x10000] =	vst v63  }
.LBB1_5:
0x1f: {  	s17 =	sadd.s32 $0x80, s10  }
0x20: {  	s14 =	simm.s32 $0x1;
	p1 =	sgt.s32 s17, $0x2FF  }
0x21: {  	s14 =	simm.s32 @!p1 $0x0  }
0x22: {  	s18 =	sadd.s32 s14, s11  }
0x23: {  	s20 =	smov.u32 s12;
	s14 =	sadd.s32 $0x1000, s12;
	p2 =	sgt.s32 s18, $0x4C  }
0x24: {  	s20 =	smov.u32 @p2 s14  }
0x25: {  	s17 =	simm.s32 @p1 $0x0;
	p1 =	sgt.s32 s20, $0xFFF  }
0x26: {  	p0 =	slt.u32 s13, $0x2;
	s20 =	smov.u32 @p1 s2;
	p1 =	sne.s32 s13, s7  }
.Ltmp1:
0x27: {  	s19 =	simm.s32 @!p0 $0x2;
	(pc) =	sbr.rel @!p1 .LBB1_6-.Ltmp1, $4  }
0x28: {  	s15 =	smov.u32 s10;
	s16 =	smov.u32 s12;
	_ =	swait.ge @!p0 [sflag:s19], $0x4000  }
0x29: {  	s9 =	sadd.s32 $0x4000, s9;
	[sflag:s19] =	ssyncset.done @!p0 $0x0;
	s10 =	smov.u32 s17  }
0x2a: {  	[sflag:s19] =	ssyncadd.s32 @!p0 $0xFFFFC000;
	s18 =	simm.s32 @p2 $0x0;
	s14 =	smov.u32 s11  }
0x2b: {  	s11 =	smov.u32 s18;
	s13 =	sadd.s32 $0x1, s13;
	s12 =	smov.u32 s20  }
.LBB1_1:
0x2c: {  	p0 =	sge.u32 s13, s5  }
0x2d: {  	s17 =	sshrl.u32 @!p0 s11, $0x3  }
0x2e: {  	s18 =	sshll.u32 @!p0 s10, $0x3;
	s17 =	smul.u32 @!p0 $0x1800, s17  }
0x2f: {  	s19 =	sshll.u32 @!p0 s11, $0x7;
	s18 =	sand.u32 @!p0 $0xFFFFFC00, s18  }
0x30: {  	s17 =	sadd.s32 @!p0 s17, s18;
	s18 =	sand.u32 @!p0 $0x380, s19  }
0x31: {  	s17 =	sor.u32 @!p0 s18, s17  }
0x32: {  	s18 =	sand.u32 @!p0 $0x7F, s10;
	s19 =	smulhi.u32 @!p0 $0xAAAAAAAB, s17  }
0x33: {  	s17 =	sor.u32 @!p0 s18, s17  }
0x34: {  	s18 =	smulhi.u32 @!p0 $0xAAAAAAAB, s17;
	s19 =	sshrl.u32 @!p0 s19, $0x9  }
0x35: {  	s20 =	smulhi.u32 @!p0 $0x3333334, s19;
	_ =	sdelay $0x1  }
0x36: {  	s18 =	sshrl.u32 @!p0 s18, $0x9;
	s20 =	smul.u32 @!p0 $0x50, s20  }
0x37: {  	s31 =	sadd.s32 $0xFFFFFFFF, s13;
	s18 =	smul.u32 @!p0 $0x300, s18  }
0x38: {  	s21 =	sxor.u32 @!p0 $0xFFFFFFFF, s13;
	s19 =	ssub.s32 @!p0 s19, s20;
	s20 =	smul.u32 @!p0 $0x1E00, s12  }
0x39: {  	s21 =	sshll.u32 @!p0 s21, $0xE;
	s17 =	ssub.s32 @!p0 s17, s18;
	s18 =	smul.u32 @!p0 $0x60, s19  }
0x3a: {  	s19 =	sand.u32 @!p0 $0x4000, s21;
	s21 =	sand.u32 @!p0 $0x7, s17;
	s20 =	sadd.s32 @!p0 s6, s20  }
0x3b: {  	s17 =	sshrl.u32 @!p0 s17, $0x3;
	s18 =	sadd.s32 @!p0 s18, s20;
	s20 =	sshll.u32 @!p0 s21, $0x12  }
0x3c: {  	s17 =	sadd.s32 @!p0 s17, s18;
	s18 =	sor.u32 @!p0 $0x80, s20;
	s20 =	simm.s32 @!p0 $0xF000  }
0x3d: {  	[tilespmem:s19], [sflag:$0x1] =	stream.strided.gather @!p0 [hbm4b:s17+s18], $0x4000, s20, s18, $0x38;
	[tilespmem:$0x10000] =	vst v63  }
0x3e: {  	p0 =	sge.u32 s31, s5  }
.Ltmp2:
0x3f: {  	_ = 	snop;
	(pc) =	sbr.rel @p0 .LBB1_5-.Ltmp2, $1  }
0x40: {  	_ =	sdelay $0x3  }
0x41: {  	s17 =	sand.u32 $0x4000, s9  }
0x42: {  	s18 =	sor.u32 $0x70, s17  }
0x43: {  	v1 =	vmov s18;
	_ =	sdelay $0x1  }
0x44: {  	_ =	swait.ge [sflag:s4], $0x4000  }
0x45: {  	[sflag:s4] =	ssyncset.done $0x0  }
0x46: {  	s19 =	simm.s32 $0x0;
	[sflag:s4] =	ssyncadd.s32 $0xFFFFC000  }
0x47: {  	s17 =	sor.u32 $0x8040, s17;
	v6 =	vld.idx.msk [tilespmem:v1+s19+$0x0 ss:$0x1], $0xffff  }
0x48: {  	v0 =	vmov s17;
	v8 =	vld.idx.msk [tilespmem:v1+s19+$0xFFFFFF90 ss:$0x1], $0xffff  }
0x49: {  	v7 =	vld.idx.msk [tilespmem:v1+s19+$0xFFFFFFA0 ss:$0x1], $0xffff  }
0x4a: {  	v5 =	vld.idx.msk [tilespmem:v1+s19+$0xFFFFFFB0 ss:$0x1], $0xffff  }
0x4b: {  	v4 =	vld.idx.msk [tilespmem:v1+s19+$0xFFFFFFC0 ss:$0x1], $0xffff  }
0x4c: {  	s31 =	sshll.u32 s13, $0xE;
	v2 =	vld.idx.msk [tilespmem:v1+s19+$0xFFFFFFD0 ss:$0x1], $0xffff  }
0x4d: {  	s17 =	sand.u32 $0x4000, s31;
	v3 =	vld.idx.msk [tilespmem:v1+s19+$0xFFFFFFE0 ss:$0x1], $0xffff;
	[tilespmem:v0+s19+$0x30 ss:$0x1] =	vst.idx.msk $0xffff, v6  }
0x4e: {  	s20 =	simm.s32 $0x400;
	s18 =	simm.s32 $0x80;
	s17 =	sor.u32 $0x8000, s17;
	[tilespmem:v0+s19+$0xFFFFFFC0 ss:$0x1] =	vst.idx.msk $0xffff, v8;
	v6 =	vld.idx.msk [tilespmem:v1+s19+$0xFFFFFFF0 ss:$0x1], $0xffff  }
.LBB1_3:
0x4f: {  	p0 =	sne.s32 s20, $0xFE00;
	v8 =	vld.idx.msk [tilespmem:v1+s18+$0x0 ss:$0x1], $0xffff;
	[tilespmem:v0+s19+$0xFFFFFFD0 ss:$0x1] =	vst.idx.msk $0xffff, v7  }
0x50: {  	v9 =	vld.idx.msk [tilespmem:v1+s18+$0xFFFFFF90 ss:$0x1], $0xffff;
	[tilespmem:v0+s19+$0xFFFFFFE0 ss:$0x1] =	vst.idx.msk $0xffff, v5  }
0x51: {  	v7 =	vld.idx.msk [tilespmem:v1+s18+$0xFFFFFFA0 ss:$0x1], $0xffff;
	[tilespmem:v0+s19+$0xFFFFFFF0 ss:$0x1] =	vst.idx.msk $0xffff, v4  }
.Ltmp3:
0x52: {  	v5 =	vld.idx.msk [tilespmem:v1+s18+$0xFFFFFFB0 ss:$0x1], $0xffff;
	[tilespmem:v0+s19+$0x0 ss:$0x1] =	vst.idx.msk $0xffff, v2;
	(pc) =	sbr.rel @p0 .LBB1_3-.Ltmp3, $4  }
0x53: {  	v4 =	vld.idx.msk [tilespmem:v1+s18+$0xFFFFFFC0 ss:$0x1], $0xffff;
	[tilespmem:v0+s19+$0x10 ss:$0x1] =	vst.idx.msk $0xffff, v3  }
0x54: {  	v2 =	vld.idx.msk [tilespmem:v1+s18+$0xFFFFFFD0 ss:$0x1], $0xffff;
	[tilespmem:v0+s19+$0x20 ss:$0x1] =	vst.idx.msk $0xffff, v6;
	s19 =	smov.u32 s18  }
0x55: {  	v3 =	vld.idx.msk [tilespmem:v1+s19+$0xFFFFFFE0 ss:$0x1], $0xffff;
	[tilespmem:v0+s19+$0x30 ss:$0x1] =	vst.idx.msk $0xffff, v8  }
0x56: {  	s18 =	sshra.s32 s20, $0x2;
	s20 =	sadd.s32 $0x200, s20;
	[tilespmem:v0+s19+$0xFFFFFFC0 ss:$0x1] =	vst.idx.msk $0xffff, v9;
	v6 =	vld.idx.msk [tilespmem:v1+s19+$0xFFFFFFF0 ss:$0x1], $0xffff  }
.Ltmp4:
0x57: {  	_ = 	snop;
	(pc) =	sbr.rel .LBB1_4-.Ltmp4, $1  }
0x58: {  	_ =	sdelay $0x3  }
.LBB1_6:
0x59: {  	_ =	sfence.sel $0x180000  }
0x5a: {  	s2 =	simm.s32 $0x1;
	[bflag:$0x0] =	sbarrier.arrive $0xFFFF  }
0x5b: {  	s31 =	simm.s32 $0x2;
	[sflag:s2] =	ssyncpa.u1 $0x1  }
0x5c: {  	[sflag:s31] =	ssyncpa.u1 $0x1  }
0x5d: {  	p0 =	sne.s32 s0, $0x0;
	_ =	strace $0x9000004A  }
0x5e: {  	s0 =	sadd.s32 @!p0 $0x100000, s1;
	[bflag:$0x2] =	sbarrier.arrive $0xFFFF  }
0x5f: {  	[sflag:s0] =	ssyncadd.tile.s32 @!p0 $0x1;
	_ =	shalt  }
.Lfunc_end1:
_tile_overlayer_lowered:
.L_overlay_start_2:
0x60: {  	(tag) =	ssettag $0x2  }
0x61: {  	s0 =	rddreg [dreg:$0x0];
	s2 =	stileid.u32  }
0x62: {  	s1 =	rddreg [dreg:$0x1];
	p0 =	sne.s32 s2, $0x0  }
0x63: {  	s3 =	rddreg [dreg:$0x2];
	[bflag:$0x3] =	sbarrier.arrive $0xFFFF;
	s2 =	simm.s32 @!p0 $0x1C01  }
0x64: {  	[timem:s3], [sflag:s2] =	dma.local @!p0 [hbm:s0], s1  }
0x65: {  	s0 =	simm.s32 @!p0 $0x1  }
0x66: {  	_ =	swait.ge @!p0 [sflag:s0], s1  }
0x67: {  	s1 =	ssub.s32 @!p0 $0x0, s1;
	[sflag:s0] =	ssyncset.done @!p0 $0x0  }
0x68: {  	[sflag:s0] =	ssyncadd.s32 @!p0 s1  }
0x69: {  	[bflag:$0x3] =	sbarrier.arrive $0xFFFF  }
0x6a: {  	_ =	shalt  }

</sc_bundles>
